<compile_context>
chip_gen: v7x
topology: tpu7x:2x2x1
jax: 0.10.2.dev20260603
libtpu: 0.0.44.dev20260713+nightly
codegen_flags: <defaults>
</compile_context>

<pallas_src>
import jax
import jax.numpy as jnp
from jax import lax
from jax.experimental import pallas as pl
from jax.experimental.pallas import tpu as pltpu
from jax.experimental.pallas import tpu_sc as plsc

N = 10000
NPAD = 10240
E = 320000
EPAD = 327680
PADE = EPAD - E
DIN = 128
DH = 256
HALF = 128
NC = 2
NS = 16
ROWS_PER_SUB = NPAD // NS
CHUNK = 128
NBUF = 2
IBLK = 8
NCH1 = EPAD // (NC * NS * CHUNK)
NCH2 = EPAD // (NS * CHUNK)
NBLK1 = NCH1 // IBLK
NBLK2 = NCH2 // IBLK
BR = 512

_MESH = plsc.VectorSubcoreMesh(core_axis_name="c", subcore_axis_name="s")


def _make_agg_body(nblk, init_stride):
    def body(tbl_hbm, init_hbm, sd_hbm, out_hbm,
             rows0, rows1, ibuf, accum,
             semi, semg0, semg1, sems0, sems1):
        c = lax.axis_index("c")
        sid = lax.axis_index("s")
        rows = (rows0, rows1)
        semg = (semg0, semg1)
        sems = (sems0, sems1)

        base0 = sid * ROWS_PER_SUB
        pltpu.sync_copy(init_hbm.at[pl.ds(c * init_stride + base0, ROWS_PER_SUB)],
                        accum.at[pl.ds(base0, ROWS_PER_SUB)])
        plsc.subcore_barrier()

        pltpu.sync_copy(sd_hbm.at[c, sid, 0], ibuf.at[0])
        pltpu.async_copy(tbl_hbm.at[ibuf.at[0, 0, 0]], rows[0], semg[0])

        @pl.loop(0, nblk)
        def _(b):
            p = b % 2
            pq = (b + 1) % 2
            bnext = jnp.minimum(b + 1, nblk - 1)
            for r in range(IBLK):
                t = r % NBUF
                t2 = (r + 1) % NBUF
                pltpu.make_async_copy(tbl_hbm.at[ibuf.at[p, 0, r]],
                                      rows[t], semg[t]).wait()
                pltpu.async_copy(rows[t], accum.at[ibuf.at[p, 1, r]],
                                 sems[t], add=True)

                def _wait_s(t2=t2):
                    pltpu.make_async_copy(rows[t2],
                                          accum.at[ibuf.at[p, 1, 0]],
                                          sems[t2]).wait()
                if r >= 1:
                    _wait_s()
                else:
                    @pl.when(b >= 1)
                    def _():
                        _wait_s()

                if r == 2:
                    pltpu.async_copy(sd_hbm.at[c, sid, bnext],
                                     ibuf.at[pq], semi)
                if r == 5:
                    pltpu.make_async_copy(sd_hbm.at[c, sid, bnext],
                                          ibuf.at[pq], semi).wait()

                if r < IBLK - 1:
                    pltpu.async_copy(tbl_hbm.at[ibuf.at[p, 0, r + 1]],
                                     rows[t2], semg[t2])
                else:
                    @pl.when(b < nblk - 1)
                    def _(r=r, t2=t2):
                        pltpu.async_copy(
                            tbl_hbm.at[ibuf.at[pq, 0, 0]],
                            rows[t2], semg[t2])

        pltpu.make_async_copy(rows[1], accum.at[ibuf.at[0, 1, 0]],
                              sems[1]).wait()
        plsc.subcore_barrier()
        pltpu.sync_copy(accum.at[pl.ds(base0, ROWS_PER_SUB)],
                        out_hbm.at[c, pl.ds(base0, ROWS_PER_SUB)])
    return body


def _make_agg(nblk, init_stride):
    return pl.kernel(
        _make_agg_body(nblk, init_stride),
        out_type=jax.ShapeDtypeStruct((NC, NPAD, HALF), jnp.float32),
        mesh=_MESH,
        scratch_types=(
            [pltpu.VMEM((CHUNK, HALF), jnp.float32)] * NBUF
            + [pltpu.VMEM((2, 2, IBLK, CHUNK), jnp.int32),
               pltpu.VMEM_SHARED((NPAD, HALF), jnp.float32)]
            + [pltpu.SemaphoreType.DMA] * 5
        ),
    )


_agg1 = _make_agg(NBLK1, 0)
_agg2 = _make_agg(NBLK2, NPAD)


def _bdot(a, b):
    return jnp.dot(a.astype(jnp.bfloat16), b.astype(jnp.bfloat16),
                   preferred_element_type=jnp.float32)


def _mlp1_body(x_ref, a_ref, wa_ref, ba_ref, wb_ref, bb_ref, o_ref):
    z = x_ref[...] + a_ref[0] + a_ref[1]
    t = _bdot(z, wa_ref[...]) + ba_ref[...]
    t = jnp.maximum(t, 0.0)
    u = _bdot(t, wb_ref[...]) + bb_ref[...]
    u = jnp.maximum(u, 0.0)
    o_ref[0] = u[:, :HALF]
    o_ref[1] = u[:, HALF:]


def _mlp2_body(z_ref, w2a_ref, b2a_ref, w2b_ref, b2b_ref,
               wm1_ref, bm1_ref, wm2_ref, bm2_ref, o_ref):
    t = (_bdot(z_ref[0], w2a_ref[:HALF])
         + _bdot(z_ref[1], w2a_ref[HALF:])
         + b2a_ref[...])
    t = jnp.maximum(t, 0.0)
    v = _bdot(t, w2b_ref[...]) + b2b_ref[...]
    h2 = jnp.maximum(v, 0.0)
    m = _bdot(h2, wm1_ref[...]) + bm1_ref[...]
    m = jnp.maximum(m, 0.0)
    o_ref[...] = _bdot(m, wm2_ref[...]) + bm2_ref[...]


def kernel(x, edge_index, W1a, b1a, W1b, b1b, W2a, b2a, W2b, b2b, Wm1, bm1, Wm2, bm2):
    src = edge_index[0].astype(jnp.int32)
    dst = edge_index[1].astype(jnp.int32)
    pad_iota = jnp.arange(PADE, dtype=jnp.int32)
    src_p = jnp.concatenate([src, pad_iota % N])
    dst_p = jnp.concatenate([dst, N + pad_iota % (NPAD - N)])

    src1 = src_p.reshape(NC, NS, NBLK1, IBLK, CHUNK)
    dst1 = dst_p.reshape(NC, NS, NBLK1, IBLK, CHUNK)
    sd1 = jnp.stack([src1, dst1], axis=3)
    src2 = (src_p[None, :] + (jnp.arange(NC, dtype=jnp.int32) * NPAD)[:, None]
            ).reshape(NC, NS, NBLK2, IBLK, CHUNK)
    dst2 = jnp.broadcast_to(dst_p.reshape(1, NS, NBLK2, IBLK, CHUNK),
                            (NC, NS, NBLK2, IBLK, CHUNK))
    sd2 = jnp.stack([src2, dst2], axis=3)

    x_pad = jnp.pad(x, ((0, NPAD - N), (0, 0)))
    zinit = jnp.zeros((NPAD, HALF), jnp.float32)

    a = _agg1(x, zinit, sd1)

    h1 = pl.pallas_call(
        _mlp1_body,
        grid=(NPAD // BR,),
        in_specs=[
            pl.BlockSpec((BR, DIN), lambda i: (i, 0)),
            pl.BlockSpec((NC, BR, DIN), lambda i: (0, i, 0)),
            pl.BlockSpec((DIN, DH), lambda i: (0, 0)),
            pl.BlockSpec((1, DH), lambda i: (0, 0)),
            pl.BlockSpec((DH, DH), lambda i: (0, 0)),
            pl.BlockSpec((1, DH), lambda i: (0, 0)),
        ],
        out_specs=pl.BlockSpec((NC, BR, HALF), lambda i: (0, i, 0)),
        out_shape=jax.ShapeDtypeStruct((NC, NPAD, HALF), jnp.float32),
    )(x_pad, a, W1a, b1a.reshape(1, -1), W1b, b1b.reshape(1, -1))

    h1f = h1.reshape(NC * NPAD, HALF)
    z2 = _agg2(h1f, h1f, sd2)

    Wm2p = jnp.zeros((DH, HALF), jnp.float32).at[:, :Wm2.shape[1]].set(Wm2)
    bm2p = jnp.zeros((1, HALF), jnp.float32).at[0, :bm2.shape[0]].set(bm2)

    out = pl.pallas_call(
        _mlp2_body,
        grid=(NPAD // BR,),
        in_specs=[
            pl.BlockSpec((NC, BR, HALF), lambda i: (0, i, 0)),
            pl.BlockSpec((DH, DH), lambda i: (0, 0)),
            pl.BlockSpec((1, DH), lambda i: (0, 0)),
            pl.BlockSpec((DH, DH), lambda i: (0, 0)),
            pl.BlockSpec((1, DH), lambda i: (0, 0)),
            pl.BlockSpec((DH, DH), lambda i: (0, 0)),
            pl.BlockSpec((1, DH), lambda i: (0, 0)),
            pl.BlockSpec((DH, HALF), lambda i: (0, 0)),
            pl.BlockSpec((1, HALF), lambda i: (0, 0)),
        ],
        out_specs=pl.BlockSpec((BR, HALF), lambda i: (i, 0)),
        out_shape=jax.ShapeDtypeStruct((NPAD, HALF), jnp.float32),
    )(z2, W2a, b2a.reshape(1, -1), W2b, b2b.reshape(1, -1),
      Wm1, bm1.reshape(1, -1), Wm2p, bm2p)

    return out[:N, :Wm2.shape[1]]

# --- scband reference (transcript-rebuilt; emitter-appended) ---
"""Pipeline reference for scband-gnngenerator-6236292513916 (READ-ONLY COPY).

The authoritative reference and input builder live on the scoring server;
editing this copy changes nothing except your own understanding.
"""

import jax, jax.numpy as jnp
import numpy as np

N = 10000
E = 320000
D_IN = 128
D_H = 256
D_F = 256
D_OUT = 4


def setup_inputs(seed: int = 0) -> dict:
    key = jax.random.key(seed)
    ks = jax.random.split(key, 16)
    x = jax.random.normal(ks[0], (N, D_IN), dtype=jnp.float32)
    edge_index = jax.random.randint(ks[1], (2, E), 0, N, dtype=jnp.int64)

    def lin(k, fan_in, fan_out):
        bound = 1.0 / np.sqrt(fan_in)
        kw, kb = jax.random.split(k)
        W = jax.random.uniform(kw, (fan_in, fan_out), minval=-bound, maxval=bound, dtype=jnp.float32)
        b = jax.random.uniform(kb, (fan_out,), minval=-bound, maxval=bound, dtype=jnp.float32)
        return W, b

    W1a, b1a = lin(ks[2], D_IN, D_H)
    W1b, b1b = lin(ks[3], D_H, D_H)
    W2a, b2a = lin(ks[4], D_H, D_H)
    W2b, b2b = lin(ks[5], D_H, D_H)
    Wm1, bm1 = lin(ks[6], D_H, D_F)
    Wm2, bm2 = lin(ks[7], D_F, D_OUT)
    return {
        "x": x, "edge_index": edge_index,
        "W1a": W1a, "b1a": b1a, "W1b": W1b, "b1b": b1b,
        "W2a": W2a, "b2a": b2a, "W2b": W2b, "b2b": b2b,
        "Wm1": Wm1, "bm1": bm1, "Wm2": Wm2, "bm2": bm2,
    }


def _gin_conv(h, edge_index, Wa, ba, Wb, bb):
    # GINConv (eps=0, train_eps=False): out = MLP((1+eps)*x + sum_{j in N(i)} x_j)
    src = edge_index[0]
    dst = edge_index[1]
    msgs = jnp.take(h, src, axis=0)
    agg = jax.ops.segment_sum(msgs, dst, num_segments=h.shape[0])
    z = h + agg
    z = z @ Wa + ba
    z = jax.nn.relu(z)
    z = z @ Wb + bb
    return z


def reference(x, edge_index, W1a, b1a, W1b, b1b, W2a, b2a, W2b, b2b, Wm1, bm1, Wm2, bm2):
    h = _gin_conv(x, edge_index, W1a, b1a, W1b, b1b)
    h = jax.nn.relu(h)
    h = _gin_conv(h, edge_index, W2a, b2a, W2b, b2b)
    h = jax.nn.relu(h)
    # final MLP: Linear -> ReLU -> Dropout(0.2, eval mode = identity) -> Linear
    h = jax.nn.relu(h @ Wm1 + bm1)
    out = h @ Wm2 + bm2
    return out

if __name__ == "__main__":
    import jax
    _d = setup_inputs()
    print(jax.jit(kernel)(*tuple(_d.values())))

</pallas_src>

<mosaic_0001>
#map = affine_map<(d0, d1) -> (0, 0)>
#map1 = affine_map<(d0, d1) -> (0, 0, 0, 0, 0, 0)>
#map2 = affine_map<(d0, d1) -> (0, 0, 0)>
module attributes {stable_mosaic.version = 14 : i64} {
  func.func @body(%arg0: i32, %arg1: i32, %arg2: memref<20480x128xf32, #tpu.memory_space<hbm>>, %arg3: memref<20480x128xf32, #tpu.memory_space<hbm>>, %arg4: memref<2x16x20x2x8x128xi32, #tpu.memory_space<hbm>>, %arg5: memref<2x10240x128xf32, #tpu.memory_space<hbm>>, %arg6: memref<128x128xf32, #tpu.memory_space<vmem>>, %arg7: memref<128x128xf32, #tpu.memory_space<vmem>>, %arg8: memref<2x2x8x128xi32, #tpu.memory_space<vmem>>, %arg9: memref<10240x128xf32, #tpu.memory_space<vmem_shared>>, %arg10: memref<!tpu.dma_semaphore, #tpu.memory_space<semaphore_mem>>, %arg11: memref<!tpu.dma_semaphore, #tpu.memory_space<semaphore_mem>>, %arg12: memref<!tpu.dma_semaphore, #tpu.memory_space<semaphore_mem>>, %arg13: memref<!tpu.dma_semaphore, #tpu.memory_space<semaphore_mem>>, %arg14: memref<!tpu.dma_semaphore, #tpu.memory_space<semaphore_mem>>) attributes {dimension_semantics = [#tpu.dimension_semantics<core_parallel>, #tpu.dimension_semantics<subcore_parallel>], iteration_bounds = array<i64: 2, 16>, scalar_prefetch = 0 : i64, scratch_operands = 9 : i64, tpu.core_type = #tpu.core_type<sc_vector_subcore>, window_params = [{transform_indices = #map}, {transform_indices = #map}, {transform_indices = #map1}, {transform_indices = #map2}]} {
    %mul3A = arith.constant 640 : i32
    %mul3A_0 = arith.muli %arg1, %mul3A : i32
    %mul3A_1 = arith.constant 10240 : i32
    %mul3A_2 = arith.muli %arg0, %mul3A_1 : i32
    %add3A = arith.addi %mul3A_2, %mul3A_0 : i32
    "tpu.region"() ({
      %run_scoped3A_25 = tpu.sem_alloc : memref<!tpu.dma_semaphore, #tpu.memory_space<semaphore_mem>>
      %dma_start3A_26 = arith.constant 0 : i32
      %dma_start3A_27 = tpu.memref_slice %arg9[%mul3A_0, %dma_start3A_26] : memref<10240x128xf32, #tpu.memory_space<vmem_shared>> -> memref<640x128xf32, #tpu.memory_space<vmem_shared>>
      %dma_start3A_28 = arith.constant 0 : i32
      %dma_start3A_29 = tpu.memref_slice %arg3[%add3A, %dma_start3A_28] : memref<20480x128xf32, #tpu.memory_space<hbm>> -> memref<640x128xf32, #tpu.memory_space<hbm>>
      tpu.enqueue_dma source(%dma_start3A_29 : memref<640x128xf32, #tpu.memory_space<hbm>>) target(%dma_start3A_27 : memref<640x128xf32, #tpu.memory_space<vmem_shared>>) target_semaphore(%run_scoped3A_25 : memref<!tpu.dma_semaphore, #tpu.memory_space<semaphore_mem>>)
      %dma_wait3A_30 = arith.constant 0 : i32
      %dma_wait3A_31 = tpu.memref_slice %arg9[%mul3A_0, %dma_wait3A_30] : memref<10240x128xf32, #tpu.memory_space<vmem_shared>> -> memref<640x128xf32, #tpu.memory_space<vmem_shared>>
      %dma_wait3A_32 = arith.constant 0 : i32
      %dma_wait3A_33 = tpu.memref_slice %arg3[%add3A, %dma_wait3A_32] : memref<20480x128xf32, #tpu.memory_space<hbm>> -> memref<640x128xf32, #tpu.memory_space<hbm>>
      tpu.wait_dma2 semaphore(%run_scoped3A_25 : memref<!tpu.dma_semaphore, #tpu.memory_space<semaphore_mem>>) src(%dma_wait3A_33 : memref<640x128xf32, #tpu.memory_space<hbm>>) dst(%dma_wait3A_31 : memref<640x128xf32, #tpu.memory_space<vmem_shared>>)
      tpu.yield
    }) : () -> ()
    %barrier3A = arith.constant 0 : index
    tpu.barrier barrier_id(%barrier3A)
    %run_scoped3A = arith.constant 0 : i32
    %run_scoped3A_3 = arith.constant 0 : i32
    "tpu.region"() ({
      %run_scoped3A_25 = tpu.sem_alloc : memref<!tpu.dma_semaphore, #tpu.memory_space<semaphore_mem>>
      %dma_start3A_26 = arith.constant 0 : i32
      %dma_start3A_27 = arith.constant 0 : i32
      %dma_start3A_28 = arith.constant 0 : i32
      %dma_start3A_29 = tpu.memref_slice %arg8[%run_scoped3A_3, %dma_start3A_26, %dma_start3A_27, %dma_start3A_28] : memref<2x2x8x128xi32, #tpu.memory_space<vmem>> -> memref<1x2x8x128xi32, #tpu.memory_space<vmem>>
      %dma_start3A_30 = tpu.memref_squeeze %dma_start3A_29 : memref<1x2x8x128xi32, #tpu.memory_space<vmem>> -> memref<2x8x128xi32, #tpu.memory_space<vmem>>
      %dma_start3A_31 = arith.constant 0 : i32
      %dma_start3A_32 = arith.constant 0 : i32
      %dma_start3A_33 = arith.constant 0 : i32
      %dma_start3A_34 = tpu.memref_slice %arg4[%arg0, %arg1, %run_scoped3A, %dma_start3A_31, %dma_start3A_32, %dma_start3A_33] : memref<2x16x20x2x8x128xi32, #tpu.memory_space<hbm>> -> memref<1x1x1x2x8x128xi32, #tpu.memory_space<hbm>>
      %dma_start3A_35 = tpu.memref_squeeze %dma_start3A_34 : memref<1x1x1x2x8x128xi32, #tpu.memory_space<hbm>> -> memref<2x8x128xi32, #tpu.memory_space<hbm>>
      %dma_start3A_36 = arith.constant 0 : i32
      %dma_start3A_37 = arith.constant 0 : i32
      %dma_start3A_38 = arith.constant 0 : i32
      %dma_start3A_39 = tpu.memref_slice %arg8[%run_scoped3A_3, %dma_start3A_36, %dma_start3A_37, %dma_start3A_38] : memref<2x2x8x128xi32, #tpu.memory_space<vmem>> -> memref<1x2x8x128xi32, #tpu.memory_space<vmem>>
      %dma_start3A_40 = tpu.memref_squeeze %dma_start3A_39 : memref<1x2x8x128xi32, #tpu.memory_space<vmem>> -> memref<2x8x128xi32, #tpu.memory_space<vmem>>
      %dma_start3A_41 = arith.constant 0 : i32
      %dma_start3A_42 = arith.constant 0 : i32
      %dma_start3A_43 = arith.constant 0 : i32
      %dma_start3A_44 = tpu.memref_slice %arg4[%arg0, %arg1, %run_scoped3A, %dma_start3A_41, %dma_start3A_42, %dma_start3A_43] : memref<2x16x20x2x8x128xi32, #tpu.memory_space<hbm>> -> memref<1x1x1x2x8x128xi32, #tpu.memory_space<hbm>>
      %dma_start3A_45 = tpu.memref_squeeze %dma_start3A_44 : memref<1x1x1x2x8x128xi32, #tpu.memory_space<hbm>> -> memref<2x8x128xi32, #tpu.memory_space<hbm>>
      tpu.enqueue_dma source(%dma_start3A_45 : memref<2x8x128xi32, #tpu.memory_space<hbm>>) target(%dma_start3A_40 : memref<2x8x128xi32, #tpu.memory_space<vmem>>) target_semaphore(%run_scoped3A_25 : memref<!tpu.dma_semaphore, #tpu.memory_space<semaphore_mem>>)
      %dma_wait3A_46 = arith.constant 0 : i32
      %dma_wait3A_47 = arith.constant 0 : i32
      %dma_wait3A_48 = arith.constant 0 : i32
      %dma_wait3A_49 = tpu.memref_slice %arg8[%run_scoped3A_3, %dma_wait3A_46, %dma_wait3A_47, %dma_wait3A_48] : memref<2x2x8x128xi32, #tpu.memory_space<vmem>> -> memref<1x2x8x128xi32, #tpu.memory_space<vmem>>
      %dma_wait3A_50 = tpu.memref_squeeze %dma_wait3A_49 : memref<1x2x8x128xi32, #tpu.memory_space<vmem>> -> memref<2x8x128xi32, #tpu.memory_space<vmem>>
      %dma_wait3A_51 = arith.constant 0 : i32
      %dma_wait3A_52 = arith.constant 0 : i32
      %dma_wait3A_53 = arith.constant 0 : i32
      %dma_wait3A_54 = tpu.memref_slice %arg4[%arg0, %arg1, %run_scoped3A, %dma_wait3A_51, %dma_wait3A_52, %dma_wait3A_53] : memref<2x16x20x2x8x128xi32, #tpu.memory_space<hbm>> -> memref<1x1x1x2x8x128xi32, #tpu.memory_space<hbm>>
      %dma_wait3A_55 = tpu.memref_squeeze %dma_wait3A_54 : memref<1x1x1x2x8x128xi32, #tpu.memory_space<hbm>> -> memref<2x8x128xi32, #tpu.memory_space<hbm>>
      %dma_wait3A_56 = arith.constant 0 : i32
      %dma_wait3A_57 = arith.constant 0 : i32
      %dma_wait3A_58 = arith.constant 0 : i32
      %dma_wait3A_59 = tpu.memref_slice %arg8[%run_scoped3A_3, %dma_wait3A_56, %dma_wait3A_57, %dma_wait3A_58] : memref<2x2x8x128xi32, #tpu.memory_space<vmem>> -> memref<1x2x8x128xi32, #tpu.memory_space<vmem>>
      %dma_wait3A_60 = tpu.memref_squeeze %dma_wait3A_59 : memref<1x2x8x128xi32, #tpu.memory_space<vmem>> -> memref<2x8x128xi32, #tpu.memory_space<vmem>>
      %dma_wait3A_61 = arith.constant 0 : i32
      %dma_wait3A_62 = arith.constant 0 : i32
      %dma_wait3A_63 = arith.constant 0 : i32
      %dma_wait3A_64 = tpu.memref_slice %arg4[%arg0, %arg1, %run_scoped3A, %dma_wait3A_61, %dma_wait3A_62, %dma_wait3A_63] : memref<2x16x20x2x8x128xi32, #tpu.memory_space<hbm>> -> memref<1x1x1x2x8x128xi32, #tpu.memory_space<hbm>>
      %dma_wait3A_65 = tpu.memref_squeeze %dma_wait3A_64 : memref<1x1x1x2x8x128xi32, #tpu.memory_space<hbm>> -> memref<2x8x128xi32, #tpu.memory_space<hbm>>
      tpu.wait_dma2 semaphore(%run_scoped3A_25 : memref<!tpu.dma_semaphore, #tpu.memory_space<semaphore_mem>>) src(%dma_wait3A_65 : memref<2x8x128xi32, #tpu.memory_space<hbm>>) dst(%dma_wait3A_60 : memref<2x8x128xi32, #tpu.memory_space<vmem>>)
      tpu.yield
    }) : () -> ()
    %dma_start3A = arith.constant 0 : i32
    %dma_start3A_4 = arith.constant 0 : i32
    %dma_start3A_5 = arith.constant 0 : i32
    %dma_start3A_6 = arith.constant 0 : i32
    %dma_start3A_7 = tpu.memref_slice %arg8[%dma_start3A, %dma_start3A_4, %dma_start3A_5, %dma_start3A_6] : memref<2x2x8x128xi32, #tpu.memory_space<vmem>> -> memref<1x1x1x128xi32, #tpu.memory_space<vmem>>
    %dma_start3A_8 = tpu.memref_squeeze %dma_start3A_7 : memref<1x1x1x128xi32, #tpu.memory_space<vmem>> -> memref<128xi32, #tpu.memory_space<vmem>>
    %dma_start3A_9 = arith.constant 0 : i32
    %dma_start3A_10 = arith.constant 0 : i32
    %dma_start3A_11 = tpu.memref_slice %arg2[%dma_start3A_9, %dma_start3A_10] : memref<20480x128xf32, #tpu.memory_space<hbm>> -> memref<20480x128xf32, #tpu.memory_space<hbm>>
    tpu.enqueue_indirect_dma source(%dma_start3A_11 : memref<20480x128xf32, #tpu.memory_space<hbm>>) target(%arg6 : memref<128x128xf32, #tpu.memory_space<vmem>>) offsets(%dma_start3A_8 : memref<128xi32, #tpu.memory_space<vmem>>) semaphore(%arg11 : memref<!tpu.dma_semaphore, #tpu.memory_space<semaphore_mem>>)
    %scan3A = arith.constant 0 : i32
    %scan3A_12 = arith.constant 20 : i32
    %scan3A_13 = arith.addi %scan3A, %scan3A_12 : i32
    %scan3A_14 = arith.constant 1 : i32
    scf.for %scan3A_25 = %scan3A to %scan3A_13 step %scan3A_14  : i32 {
      %mul3A_26 = arith.constant 1 : i32
      %mul3A_27 = arith.muli %scan3A_25, %mul3A_26 : i32
      %add3A_28 = arith.constant 0 : i32
      %add3A_29 = arith.addi %add3A_28, %mul3A_27 : i32
      %jit3A = arith.constant 2 : i32
      %eq3A = arith.constant 0 : i32
      %eq3A_30 = arith.cmpi eq, %jit3A, %eq3A : i32
      %jit3A_31 = arith.constant 1 : i32
      %select_n3A = arith.select %eq3A_30, %jit3A_31, %jit3A : i32
      %rem3A = arith.remsi %add3A_29, %select_n3A : i32
      %ne3A = arith.constant 0 : i32
      %ne3A_32 = arith.cmpi ne, %rem3A, %ne3A : i32
      %lt3A = arith.constant 0 : i32
      %lt3A_33 = arith.cmpi slt, %rem3A, %lt3A : i32
      %lt3A_34 = arith.constant 0 : i32
      %lt3A_35 = arith.cmpi slt, %select_n3A, %lt3A_34 : i32
      %ne3A_36 = arith.xori %lt3A_33, %lt3A_35 : i1
      %and3A = arith.andi %ne3A_36, %ne3A_32 : i1
      %add3A_37 = arith.addi %rem3A, %select_n3A : i32
      %select_n3A_38 = arith.select %and3A, %add3A_37, %rem3A : i32
      %add3A_39 = arith.constant 1 : i32
      %add3A_40 = arith.addi %add3A_29, %add3A_39 : i32
      %jit3A_41 = arith.constant 2 : i32
      %eq3A_42 = arith.constant 0 : i32
      %eq3A_43 = arith.cmpi eq, %jit3A_41, %eq3A_42 : i32
      %jit3A_44 = arith.constant 1 : i32
      %select_n3A_45 = arith.select %eq3A_43, %jit3A_44, %jit3A_41 : i32
      %rem3A_46 = arith.remsi %add3A_40, %select_n3A_45 : i32
      %ne3A_47 = arith.constant 0 : i32
      %ne3A_48 = arith.cmpi ne, %rem3A_46, %ne3A_47 : i32
      %lt3A_49 = arith.constant 0 : i32
      %lt3A_50 = arith.cmpi slt, %rem3A_46, %lt3A_49 : i32
      %lt3A_51 = arith.constant 0 : i32
      %lt3A_52 = arith.cmpi slt, %select_n3A_45, %lt3A_51 : i32
      %ne3A_53 = arith.xori %lt3A_50, %lt3A_52 : i1
      %and3A_54 = arith.andi %ne3A_53, %ne3A_48 : i1
      %add3A_55 = arith.addi %rem3A_46, %select_n3A_45 : i32
      %select_n3A_56 = arith.select %and3A_54, %add3A_55, %rem3A_46 : i32
      %add3A_57 = arith.constant 1 : i32
      %add3A_58 = arith.addi %add3A_29, %add3A_57 : i32
      %min3A = arith.constant 19 : i32
      %min3A_59 = arith.minsi %add3A_58, %min3A : i32
      %dma_wait3A_60 = arith.constant 0 : i32
      %dma_wait3A_61 = arith.constant 0 : i32
      %dma_wait3A_62 = arith.constant 0 : i32
      %dma_wait3A_63 = tpu.memref_slice %arg8[%select_n3A_38, %dma_wait3A_60, %dma_wait3A_61, %dma_wait3A_62] : memref<2x2x8x128xi32, #tpu.memory_space<vmem>> -> memref<1x1x1x128xi32, #tpu.memory_space<vmem>>
      %dma_wait3A_64 = tpu.memref_squeeze %dma_wait3A_63 : memref<1x1x1x128xi32, #tpu.memory_space<vmem>> -> memref<128xi32, #tpu.memory_space<vmem>>
      %dma_wait3A_65 = arith.constant 0 : i32
      %dma_wait3A_66 = arith.constant 0 : i32
      %dma_wait3A_67 = tpu.memref_slice %arg2[%dma_wait3A_65, %dma_wait3A_66] : memref<20480x128xf32, #tpu.memory_space<hbm>> -> memref<20480x128xf32, #tpu.memory_space<hbm>>
      tpu.wait_indirect_dma semaphore(%arg11 : memref<!tpu.dma_semaphore, #tpu.memory_space<semaphore_mem>>) src(%dma_wait3A_67 : memref<20480x128xf32, #tpu.memory_space<hbm>>) dst(%arg6 : memref<128x128xf32, #tpu.memory_space<vmem>>)
      %dma_start3A_68 = arith.constant 1 : i32
      %dma_start3A_69 = arith.constant 0 : i32
      %dma_start3A_70 = arith.constant 0 : i32
      %dma_start3A_71 = tpu.memref_slice %arg8[%select_n3A_38, %dma_start3A_68, %dma_start3A_69, %dma_start3A_70] : memref<2x2x8x128xi32, #tpu.memory_space<vmem>> -> memref<1x1x1x128xi32, #tpu.memory_space<vmem>>
      %dma_start3A_72 = tpu.memref_squeeze %dma_start3A_71 : memref<1x1x1x128xi32, #tpu.memory_space<vmem>> -> memref<128xi32, #tpu.memory_space<vmem>>
      %dma_start3A_73 = arith.constant 0 : i32
      %dma_start3A_74 = arith.constant 0 : i32
      %dma_start3A_75 = tpu.memref_slice %arg9[%dma_start3A_73, %dma_start3A_74] : memref<10240x128xf32, #tpu.memory_space<vmem_shared>> -> memref<10240x128xf32, #tpu.memory_space<vmem_shared>>
      tpu.enqueue_indirect_dma source(%arg6 : memref<128x128xf32, #tpu.memory_space<vmem>>) target(%dma_start3A_75 : memref<10240x128xf32, #tpu.memory_space<vmem_shared>>) offsets(%dma_start3A_72 : memref<128xi32, #tpu.memory_space<vmem>>) semaphore(%arg13 : memref<!tpu.dma_semaphore, #tpu.memory_space<semaphore_mem>>) {add = true}
      %ge3A = arith.constant 1 : i32
      %ge3A_76 = arith.cmpi sge, %add3A_29, %ge3A : i32
      %convert_element_type3A = arith.extui %ge3A_76 : i1 to i32
      %cond3A = arith.constant 0 : i32
      %cond3A_77 = arith.cmpi ne, %convert_element_type3A, %cond3A : i32
      scf.if %cond3A_77 {
        %dma_wait3A_347 = arith.constant 1 : i32
        %dma_wait3A_348 = arith.constant 0 : i32
        %dma_wait3A_349 = arith.constant 0 : i32
        %dma_wait3A_350 = tpu.memref_slice %arg8[%select_n3A_38, %dma_wait3A_347, %dma_wait3A_348, %dma_wait3A_349] : memref<2x2x8x128xi32, #tpu.memory_space<vmem>> -> memref<1x1x1x128xi32, #tpu.memory_space<vmem>>
        %dma_wait3A_351 = tpu.memref_squeeze %dma_wait3A_350 : memref<1x1x1x128xi32, #tpu.memory_space<vmem>> -> memref<128xi32, #tpu.memory_space<vmem>>
        %dma_wait3A_352 = arith.constant 0 : i32
        %dma_wait3A_353 = arith.constant 0 : i32
        %dma_wait3A_354 = tpu.memref_slice %arg9[%dma_wait3A_352, %dma_wait3A_353] : memref<10240x128xf32, #tpu.memory_space<vmem_shared>> -> memref<10240x128xf32, #tpu.memory_space<vmem_shared>>
        tpu.wait_indirect_dma semaphore(%arg14 : memref<!tpu.dma_semaphore, #tpu.memory_space<semaphore_mem>>) src(%arg7 : memref<128x128xf32, #tpu.memory_space<vmem>>) dst(%dma_wait3A_354 : memref<10240x128xf32, #tpu.memory_space<vmem_shared>>)
      } else {
      }
      %dma_start3A_78 = arith.constant 0 : i32
      %dma_start3A_79 = arith.constant 1 : i32
      %dma_start3A_80 = arith.constant 0 : i32
      %dma_start3A_81 = tpu.memref_slice %arg8[%select_n3A_38, %dma_start3A_78, %dma_start3A_79, %dma_start3A_80] : memref<2x2x8x128xi32, #tpu.memory_space<vmem>> -> memref<1x1x1x128xi32, #tpu.memory_space<vmem>>
      %dma_start3A_82 = tpu.memref_squeeze %dma_start3A_81 : memref<1x1x1x128xi32, #tpu.memory_space<vmem>> -> memref<128xi32, #tpu.memory_space<vmem>>
      %dma_start3A_83 = arith.constant 0 : i32
      %dma_start3A_84 = arith.constant 0 : i32
      %dma_start3A_85 = tpu.memref_slice %arg2[%dma_start3A_83, %dma_start3A_84] : memref<20480x128xf32, #tpu.memory_space<hbm>> -> memref<20480x128xf32, #tpu.memory_space<hbm>>
      tpu.enqueue_indirect_dma source(%dma_start3A_85 : memref<20480x128xf32, #tpu.memory_space<hbm>>) target(%arg7 : memref<128x128xf32, #tpu.memory_space<vmem>>) offsets(%dma_start3A_82 : memref<128xi32, #tpu.memory_space<vmem>>) semaphore(%arg12 : memref<!tpu.dma_semaphore, #tpu.memory_space<semaphore_mem>>)
      %dma_wait3A_86 = arith.constant 0 : i32
      %dma_wait3A_87 = arith.constant 1 : i32
      %dma_wait3A_88 = arith.constant 0 : i32
      %dma_wait3A_89 = tpu.memref_slice %arg8[%select_n3A_38, %dma_wait3A_86, %dma_wait3A_87, %dma_wait3A_88] : memref<2x2x8x128xi32, #tpu.memory_space<vmem>> -> memref<1x1x1x128xi32, #tpu.memory_space<vmem>>
      %dma_wait3A_90 = tpu.memref_squeeze %dma_wait3A_89 : memref<1x1x1x128xi32, #tpu.memory_space<vmem>> -> memref<128xi32, #tpu.memory_space<vmem>>
      %dma_wait3A_91 = arith.constant 0 : i32
      %dma_wait3A_92 = arith.constant 0 : i32
      %dma_wait3A_93 = tpu.memref_slice %arg2[%dma_wait3A_91, %dma_wait3A_92] : memref<20480x128xf32, #tpu.memory_space<hbm>> -> memref<20480x128xf32, #tpu.memory_space<hbm>>
      tpu.wait_indirect_dma semaphore(%arg12 : memref<!tpu.dma_semaphore, #tpu.memory_space<semaphore_mem>>) src(%dma_wait3A_93 : memref<20480x128xf32, #tpu.memory_space<hbm>>) dst(%arg7 : memref<128x128xf32, #tpu.memory_space<vmem>>)
      %dma_start3A_94 = arith.constant 1 : i32
      %dma_start3A_95 = arith.constant 1 : i32
      %dma_start3A_96 = arith.constant 0 : i32
      %dma_start3A_97 = tpu.memref_slice %arg8[%select_n3A_38, %dma_start3A_94, %dma_start3A_95, %dma_start3A_96] : memref<2x2x8x128xi32, #tpu.memory_space<vmem>> -> memref<1x1x1x128xi32, #tpu.memory_space<vmem>>
      %dma_start3A_98 = tpu.memref_squeeze %dma_start3A_97 : memref<1x1x1x128xi32, #tpu.memory_space<vmem>> -> memref<128xi32, #tpu.memory_space<vmem>>
      %dma_start3A_99 = arith.constant 0 : i32
      %dma_start3A_100 = arith.constant 0 : i32
      %dma_start3A_101 = tpu.memref_slice %arg9[%dma_start3A_99, %dma_start3A_100] : memref<10240x128xf32, #tpu.memory_space<vmem_shared>> -> memref<10240x128xf32, #tpu.memory_space<vmem_shared>>
      tpu.enqueue_indirect_dma source(%arg7 : memref<128x128xf32, #tpu.memory_space<vmem>>) target(%dma_start3A_101 : memref<10240x128xf32, #tpu.memory_space<vmem_shared>>) offsets(%dma_start3A_98 : memref<128xi32, #tpu.memory_space<vmem>>) semaphore(%arg14 : memref<!tpu.dma_semaphore, #tpu.memory_space<semaphore_mem>>) {add = true}
      %dma_wait3A_102 = arith.constant 1 : i32
      %dma_wait3A_103 = arith.constant 0 : i32
      %dma_wait3A_104 = arith.constant 0 : i32
      %dma_wait3A_105 = tpu.memref_slice %arg8[%select_n3A_38, %dma_wait3A_102, %dma_wait3A_103, %dma_wait3A_104] : memref<2x2x8x128xi32, #tpu.memory_space<vmem>> -> memref<1x1x1x128xi32, #tpu.memory_space<vmem>>
      %dma_wait3A_106 = tpu.memref_squeeze %dma_wait3A_105 : memref<1x1x1x128xi32, #tpu.memory_space<vmem>> -> memref<128xi32, #tpu.memory_space<vmem>>
      %dma_wait3A_107 = arith.constant 0 : i32
      %dma_wait3A_108 = arith.constant 0 : i32
      %dma_wait3A_109 = tpu.memref_slice %arg9[%dma_wait3A_107, %dma_wait3A_108] : memref<10240x128xf32, #tpu.memory_space<vmem_shared>> -> memref<10240x128xf32, #tpu.memory_space<vmem_shared>>
      tpu.wait_indirect_dma semaphore(%arg13 : memref<!tpu.dma_semaphore, #tpu.memory_space<semaphore_mem>>) src(%arg6 : memref<128x128xf32, #tpu.memory_space<vmem>>) dst(%dma_wait3A_109 : memref<10240x128xf32, #tpu.memory_space<vmem_shared>>)
      %dma_start3A_110 = arith.constant 0 : i32
      %dma_start3A_111 = arith.constant 2 : i32
      %dma_start3A_112 = arith.constant 0 : i32
      %dma_start3A_113 = tpu.memref_slice %arg8[%select_n3A_38, %dma_start3A_110, %dma_start3A_111, %dma_start3A_112] : memref<2x2x8x128xi32, #tpu.memory_space<vmem>> -> memref<1x1x1x128xi32, #tpu.memory_space<vmem>>
      %dma_start3A_114 = tpu.memref_squeeze %dma_start3A_113 : memref<1x1x1x128xi32, #tpu.memory_space<vmem>> -> memref<128xi32, #tpu.memory_space<vmem>>
      %dma_start3A_115 = arith.constant 0 : i32
      %dma_start3A_116 = arith.constant 0 : i32
      %dma_start3A_117 = tpu.memref_slice %arg2[%dma_start3A_115, %dma_start3A_116] : memref<20480x128xf32, #tpu.memory_space<hbm>> -> memref<20480x128xf32, #tpu.memory_space<hbm>>
      tpu.enqueue_indirect_dma source(%dma_start3A_117 : memref<20480x128xf32, #tpu.memory_space<hbm>>) target(%arg6 : memref<128x128xf32, #tpu.memory_space<vmem>>) offsets(%dma_start3A_114 : memref<128xi32, #tpu.memory_space<vmem>>) semaphore(%arg11 : memref<!tpu.dma_semaphore, #tpu.memory_space<semaphore_mem>>)
      %dma_wait3A_118 = arith.constant 0 : i32
      %dma_wait3A_119 = arith.constant 2 : i32
      %dma_wait3A_120 = arith.constant 0 : i32
      %dma_wait3A_121 = tpu.memref_slice %arg8[%select_n3A_38, %dma_wait3A_118, %dma_wait3A_119, %dma_wait3A_120] : memref<2x2x8x128xi32, #tpu.memory_space<vmem>> -> memref<1x1x1x128xi32, #tpu.memory_space<vmem>>
      %dma_wait3A_122 = tpu.memref_squeeze %dma_wait3A_121 : memref<1x1x1x128xi32, #tpu.memory_space<vmem>> -> memref<128xi32, #tpu.memory_space<vmem>>
      %dma_wait3A_123 = arith.constant 0 : i32
      %dma_wait3A_124 = arith.constant 0 : i32
      %dma_wait3A_125 = tpu.memref_slice %arg2[%dma_wait3A_123, %dma_wait3A_124] : memref<20480x128xf32, #tpu.memory_space<hbm>> -> memref<20480x128xf32, #tpu.memory_space<hbm>>
      tpu.wait_indirect_dma semaphore(%arg11 : memref<!tpu.dma_semaphore, #tpu.memory_space<semaphore_mem>>) src(%dma_wait3A_125 : memref<20480x128xf32, #tpu.memory_space<hbm>>) dst(%arg6 : memref<128x128xf32, #tpu.memory_space<vmem>>)
      %dma_start3A_126 = arith.constant 1 : i32
      %dma_start3A_127 = arith.constant 2 : i32
      %dma_start3A_128 = arith.constant 0 : i32
      %dma_start3A_129 = tpu.memref_slice %arg8[%select_n3A_38, %dma_start3A_126, %dma_start3A_127, %dma_start3A_128] : memref<2x2x8x128xi32, #tpu.memory_space<vmem>> -> memref<1x1x1x128xi32, #tpu.memory_space<vmem>>
      %dma_start3A_130 = tpu.memref_squeeze %dma_start3A_129 : memref<1x1x1x128xi32, #tpu.memory_space<vmem>> -> memref<128xi32, #tpu.memory_space<vmem>>
      %dma_start3A_131 = arith.constant 0 : i32
      %dma_start3A_132 = arith.constant 0 : i32
      %dma_start3A_133 = tpu.memref_slice %arg9[%dma_start3A_131, %dma_start3A_132] : memref<10240x128xf32, #tpu.memory_space<vmem_shared>> -> memref<10240x128xf32, #tpu.memory_space<vmem_shared>>
      tpu.enqueue_indirect_dma source(%arg6 : memref<128x128xf32, #tpu.memory_space<vmem>>) target(%dma_start3A_133 : memref<10240x128xf32, #tpu.memory_space<vmem_shared>>) offsets(%dma_start3A_130 : memref<128xi32, #tpu.memory_space<vmem>>) semaphore(%arg13 : memref<!tpu.dma_semaphore, #tpu.memory_space<semaphore_mem>>) {add = true}
      %dma_wait3A_134 = arith.constant 1 : i32
      %dma_wait3A_135 = arith.constant 0 : i32
      %dma_wait3A_136 = arith.constant 0 : i32
      %dma_wait3A_137 = tpu.memref_slice %arg8[%select_n3A_38, %dma_wait3A_134, %dma_wait3A_135, %dma_wait3A_136] : memref<2x2x8x128xi32, #tpu.memory_space<vmem>> -> memref<1x1x1x128xi32, #tpu.memory_space<vmem>>
      %dma_wait3A_138 = tpu.memref_squeeze %dma_wait3A_137 : memref<1x1x1x128xi32, #tpu.memory_space<vmem>> -> memref<128xi32, #tpu.memory_space<vmem>>
      %dma_wait3A_139 = arith.constant 0 : i32
      %dma_wait3A_140 = arith.constant 0 : i32
      %dma_wait3A_141 = tpu.memref_slice %arg9[%dma_wait3A_139, %dma_wait3A_140] : memref<10240x128xf32, #tpu.memory_space<vmem_shared>> -> memref<10240x128xf32, #tpu.memory_space<vmem_shared>>
      tpu.wait_indirect_dma semaphore(%arg14 : memref<!tpu.dma_semaphore, #tpu.memory_space<semaphore_mem>>) src(%arg7 : memref<128x128xf32, #tpu.memory_space<vmem>>) dst(%dma_wait3A_141 : memref<10240x128xf32, #tpu.memory_space<vmem_shared>>)
      %dma_start3A_142 = arith.constant 0 : i32
      %dma_start3A_143 = arith.constant 0 : i32
      %dma_start3A_144 = arith.constant 0 : i32
      %dma_start3A_145 = tpu.memref_slice %arg8[%select_n3A_56, %dma_start3A_142, %dma_start3A_143, %dma_start3A_144] : memref<2x2x8x128xi32, #tpu.memory_space<vmem>> -> memref<1x2x8x128xi32, #tpu.memory_space<vmem>>
      %dma_start3A_146 = tpu.memref_squeeze %dma_start3A_145 : memref<1x2x8x128xi32, #tpu.memory_space<vmem>> -> memref<2x8x128xi32, #tpu.memory_space<vmem>>
      %dma_start3A_147 = arith.constant 0 : i32
      %dma_start3A_148 = arith.constant 0 : i32
      %dma_start3A_149 = arith.constant 0 : i32
      %dma_start3A_150 = tpu.memref_slice %arg4[%arg0, %arg1, %min3A_59, %dma_start3A_147, %dma_start3A_148, %dma_start3A_149] : memref<2x16x20x2x8x128xi32, #tpu.memory_space<hbm>> -> memref<1x1x1x2x8x128xi32, #tpu.memory_space<hbm>>
      %dma_start3A_151 = tpu.memref_squeeze %dma_start3A_150 : memref<1x1x1x2x8x128xi32, #tpu.memory_space<hbm>> -> memref<2x8x128xi32, #tpu.memory_space<hbm>>
      %dma_start3A_152 = arith.constant 0 : i32
      %dma_start3A_153 = arith.constant 0 : i32
      %dma_start3A_154 = arith.constant 0 : i32
      %dma_start3A_155 = tpu.memref_slice %arg8[%select_n3A_56, %dma_start3A_152, %dma_start3A_153, %dma_start3A_154] : memref<2x2x8x128xi32, #tpu.memory_space<vmem>> -> memref<1x2x8x128xi32, #tpu.memory_space<vmem>>
      %dma_start3A_156 = tpu.memref_squeeze %dma_start3A_155 : memref<1x2x8x128xi32, #tpu.memory_space<vmem>> -> memref<2x8x128xi32, #tpu.memory_space<vmem>>
      %dma_start3A_157 = arith.constant 0 : i32
      %dma_start3A_158 = arith.constant 0 : i32
      %dma_start3A_159 = arith.constant 0 : i32
      %dma_start3A_160 = tpu.memref_slice %arg4[%arg0, %arg1, %min3A_59, %dma_start3A_157, %dma_start3A_158, %dma_start3A_159] : memref<2x16x20x2x8x128xi32, #tpu.memory_space<hbm>> -> memref<1x1x1x2x8x128xi32, #tpu.memory_space<hbm>>
      %dma_start3A_161 = tpu.memref_squeeze %dma_start3A_160 : memref<1x1x1x2x8x128xi32, #tpu.memory_space<hbm>> -> memref<2x8x128xi32, #tpu.memory_space<hbm>>
      tpu.enqueue_dma source(%dma_start3A_161 : memref<2x8x128xi32, #tpu.memory_space<hbm>>) target(%dma_start3A_156 : memref<2x8x128xi32, #tpu.memory_space<vmem>>) target_semaphore(%arg10 : memref<!tpu.dma_semaphore, #tpu.memory_space<semaphore_mem>>)
      %dma_start3A_162 = arith.constant 0 : i32
      %dma_start3A_163 = arith.constant 3 : i32
      %dma_start3A_164 = arith.constant 0 : i32
      %dma_start3A_165 = tpu.memref_slice %arg8[%select_n3A_38, %dma_start3A_162, %dma_start3A_163, %dma_start3A_164] : memref<2x2x8x128xi32, #tpu.memory_space<vmem>> -> memref<1x1x1x128xi32, #tpu.memory_space<vmem>>
      %dma_start3A_166 = tpu.memref_squeeze %dma_start3A_165 : memref<1x1x1x128xi32, #tpu.memory_space<vmem>> -> memref<128xi32, #tpu.memory_space<vmem>>
      %dma_start3A_167 = arith.constant 0 : i32
      %dma_start3A_168 = arith.constant 0 : i32
      %dma_start3A_169 = tpu.memref_slice %arg2[%dma_start3A_167, %dma_start3A_168] : memref<20480x128xf32, #tpu.memory_space<hbm>> -> memref<20480x128xf32, #tpu.memory_space<hbm>>
      tpu.enqueue_indirect_dma source(%dma_start3A_169 : memref<20480x128xf32, #tpu.memory_space<hbm>>) target(%arg7 : memref<128x128xf32, #tpu.memory_space<vmem>>) offsets(%dma_start3A_166 : memref<128xi32, #tpu.memory_space<vmem>>) semaphore(%arg12 : memref<!tpu.dma_semaphore, #tpu.memory_space<semaphore_mem>>)
      %dma_wait3A_170 = arith.constant 0 : i32
      %dma_wait3A_171 = arith.constant 3 : i32
      %dma_wait3A_172 = arith.constant 0 : i32
      %dma_wait3A_173 = tpu.memref_slice %arg8[%select_n3A_38, %dma_wait3A_170, %dma_wait3A_171, %dma_wait3A_172] : memref<2x2x8x128xi32, #tpu.memory_space<vmem>> -> memref<1x1x1x128xi32, #tpu.memory_space<vmem>>
      %dma_wait3A_174 = tpu.memref_squeeze %dma_wait3A_173 : memref<1x1x1x128xi32, #tpu.memory_space<vmem>> -> memref<128xi32, #tpu.memory_space<vmem>>
      %dma_wait3A_175 = arith.constant 0 : i32
      %dma_wait3A_176 = arith.constant 0 : i32
      %dma_wait3A_177 = tpu.memref_slice %arg2[%dma_wait3A_175, %dma_wait3A_176] : memref<20480x128xf32, #tpu.memory_space<hbm>> -> memref<20480x128xf32, #tpu.memory_space<hbm>>
      tpu.wait_indirect_dma semaphore(%arg12 : memref<!tpu.dma_semaphore, #tpu.memory_space<semaphore_mem>>) src(%dma_wait3A_177 : memref<20480x128xf32, #tpu.memory_space<hbm>>) dst(%arg7 : memref<128x128xf32, #tpu.memory_space<vmem>>)
      %dma_start3A_178 = arith.constant 1 : i32
      %dma_start3A_179 = arith.constant 3 : i32
      %dma_start3A_180 = arith.constant 0 : i32
      %dma_start3A_181 = tpu.memref_slice %arg8[%select_n3A_38, %dma_start3A_178, %dma_start3A_179, %dma_start3A_180] : memref<2x2x8x128xi32, #tpu.memory_space<vmem>> -> memref<1x1x1x128xi32, #tpu.memory_space<vmem>>
      %dma_start3A_182 = tpu.memref_squeeze %dma_start3A_181 : memref<1x1x1x128xi32, #tpu.memory_space<vmem>> -> memref<128xi32, #tpu.memory_space<vmem>>
      %dma_start3A_183 = arith.constant 0 : i32
      %dma_start3A_184 = arith.constant 0 : i32
      %dma_start3A_185 = tpu.memref_slice %arg9[%dma_start3A_183, %dma_start3A_184] : memref<10240x128xf32, #tpu.memory_space<vmem_shared>> -> memref<10240x128xf32, #tpu.memory_space<vmem_shared>>
      tpu.enqueue_indirect_dma source(%arg7 : memref<128x128xf32, #tpu.memory_space<vmem>>) target(%dma_start3A_185 : memref<10240x128xf32, #tpu.memory_space<vmem_shared>>) offsets(%dma_start3A_182 : memref<128xi32, #tpu.memory_space<vmem>>) semaphore(%arg14 : memref<!tpu.dma_semaphore, #tpu.memory_space<semaphore_mem>>) {add = true}
      %dma_wait3A_186 = arith.constant 1 : i32
      %dma_wait3A_187 = arith.constant 0 : i32
      %dma_wait3A_188 = arith.constant 0 : i32
      %dma_wait3A_189 = tpu.memref_slice %arg8[%select_n3A_38, %dma_wait3A_186, %dma_wait3A_187, %dma_wait3A_188] : memref<2x2x8x128xi32, #tpu.memory_space<vmem>> -> memref<1x1x1x128xi32, #tpu.memory_space<vmem>>
      %dma_wait3A_190 = tpu.memref_squeeze %dma_wait3A_189 : memref<1x1x1x128xi32, #tpu.memory_space<vmem>> -> memref<128xi32, #tpu.memory_space<vmem>>
      %dma_wait3A_191 = arith.constant 0 : i32
      %dma_wait3A_192 = arith.constant 0 : i32
      %dma_wait3A_193 = tpu.memref_slice %arg9[%dma_wait3A_191, %dma_wait3A_192] : memref<10240x128xf32, #tpu.memory_space<vmem_shared>> -> memref<10240x128xf32, #tpu.memory_space<vmem_shared>>
      tpu.wait_indirect_dma semaphore(%arg13 : memref<!tpu.dma_semaphore, #tpu.memory_space<semaphore_mem>>) src(%arg6 : memref<128x128xf32, #tpu.memory_space<vmem>>) dst(%dma_wait3A_193 : memref<10240x128xf32, #tpu.memory_space<vmem_shared>>)
      %dma_start3A_194 = arith.constant 0 : i32
      %dma_start3A_195 = arith.constant 4 : i32
      %dma_start3A_196 = arith.constant 0 : i32
      %dma_start3A_197 = tpu.memref_slice %arg8[%select_n3A_38, %dma_start3A_194, %dma_start3A_195, %dma_start3A_196] : memref<2x2x8x128xi32, #tpu.memory_space<vmem>> -> memref<1x1x1x128xi32, #tpu.memory_space<vmem>>
      %dma_start3A_198 = tpu.memref_squeeze %dma_start3A_197 : memref<1x1x1x128xi32, #tpu.memory_space<vmem>> -> memref<128xi32, #tpu.memory_space<vmem>>
      %dma_start3A_199 = arith.constant 0 : i32
      %dma_start3A_200 = arith.constant 0 : i32
      %dma_start3A_201 = tpu.memref_slice %arg2[%dma_start3A_199, %dma_start3A_200] : memref<20480x128xf32, #tpu.memory_space<hbm>> -> memref<20480x128xf32, #tpu.memory_space<hbm>>
      tpu.enqueue_indirect_dma source(%dma_start3A_201 : memref<20480x128xf32, #tpu.memory_space<hbm>>) target(%arg6 : memref<128x128xf32, #tpu.memory_space<vmem>>) offsets(%dma_start3A_198 : memref<128xi32, #tpu.memory_space<vmem>>) semaphore(%arg11 : memref<!tpu.dma_semaphore, #tpu.memory_space<semaphore_mem>>)
      %dma_wait3A_202 = arith.constant 0 : i32
      %dma_wait3A_203 = arith.constant 4 : i32
      %dma_wait3A_204 = arith.constant 0 : i32
      %dma_wait3A_205 = tpu.memref_slice %arg8[%select_n3A_38, %dma_wait3A_202, %dma_wait3A_203, %dma_wait3A_204] : memref<2x2x8x128xi32, #tpu.memory_space<vmem>> -> memref<1x1x1x128xi32, #tpu.memory_space<vmem>>
      %dma_wait3A_206 = tpu.memref_squeeze %dma_wait3A_205 : memref<1x1x1x128xi32, #tpu.memory_space<vmem>> -> memref<128xi32, #tpu.memory_space<vmem>>
      %dma_wait3A_207 = arith.constant 0 : i32
      %dma_wait3A_208 = arith.constant 0 : i32
      %dma_wait3A_209 = tpu.memref_slice %arg2[%dma_wait3A_207, %dma_wait3A_208] : memref<20480x128xf32, #tpu.memory_space<hbm>> -> memref<20480x128xf32, #tpu.memory_space<hbm>>
      tpu.wait_indirect_dma semaphore(%arg11 : memref<!tpu.dma_semaphore, #tpu.memory_space<semaphore_mem>>) src(%dma_wait3A_209 : memref<20480x128xf32, #tpu.memory_space<hbm>>) dst(%arg6 : memref<128x128xf32, #tpu.memory_space<vmem>>)
      %dma_start3A_210 = arith.constant 1 : i32
      %dma_start3A_211 = arith.constant 4 : i32
      %dma_start3A_212 = arith.constant 0 : i32
      %dma_start3A_213 = tpu.memref_slice %arg8[%select_n3A_38, %dma_start3A_210, %dma_start3A_211, %dma_start3A_212] : memref<2x2x8x128xi32, #tpu.memory_space<vmem>> -> memref<1x1x1x128xi32, #tpu.memory_space<vmem>>
      %dma_start3A_214 = tpu.memref_squeeze %dma_start3A_213 : memref<1x1x1x128xi32, #tpu.memory_space<vmem>> -> memref<128xi32, #tpu.memory_space<vmem>>
      %dma_start3A_215 = arith.constant 0 : i32
      %dma_start3A_216 = arith.constant 0 : i32
      %dma_start3A_217 = tpu.memref_slice %arg9[%dma_start3A_215, %dma_start3A_216] : memref<10240x128xf32, #tpu.memory_space<vmem_shared>> -> memref<10240x128xf32, #tpu.memory_space<vmem_shared>>
      tpu.enqueue_indirect_dma source(%arg6 : memref<128x128xf32, #tpu.memory_space<vmem>>) target(%dma_start3A_217 : memref<10240x128xf32, #tpu.memory_space<vmem_shared>>) offsets(%dma_start3A_214 : memref<128xi32, #tpu.memory_space<vmem>>) semaphore(%arg13 : memref<!tpu.dma_semaphore, #tpu.memory_space<semaphore_mem>>) {add = true}
      %dma_wait3A_218 = arith.constant 1 : i32
      %dma_wait3A_219 = arith.constant 0 : i32
      %dma_wait3A_220 = arith.constant 0 : i32
      %dma_wait3A_221 = tpu.memref_slice %arg8[%select_n3A_38, %dma_wait3A_218, %dma_wait3A_219, %dma_wait3A_220] : memref<2x2x8x128xi32, #tpu.memory_space<vmem>> -> memref<1x1x1x128xi32, #tpu.memory_space<vmem>>
      %dma_wait3A_222 = tpu.memref_squeeze %dma_wait3A_221 : memref<1x1x1x128xi32, #tpu.memory_space<vmem>> -> memref<128xi32, #tpu.memory_space<vmem>>
      %dma_wait3A_223 = arith.constant 0 : i32
      %dma_wait3A_224 = arith.constant 0 : i32
      %dma_wait3A_225 = tpu.memref_slice %arg9[%dma_wait3A_223, %dma_wait3A_224] : memref<10240x128xf32, #tpu.memory_space<vmem_shared>> -> memref<10240x128xf32, #tpu.memory_space<vmem_shared>>
      tpu.wait_indirect_dma semaphore(%arg14 : memref<!tpu.dma_semaphore, #tpu.memory_space<semaphore_mem>>) src(%arg7 : memref<128x128xf32, #tpu.memory_space<vmem>>) dst(%dma_wait3A_225 : memref<10240x128xf32, #tpu.memory_space<vmem_shared>>)
      %dma_start3A_226 = arith.constant 0 : i32
      %dma_start3A_227 = arith.constant 5 : i32
      %dma_start3A_228 = arith.constant 0 : i32
      %dma_start3A_229 = tpu.memref_slice %arg8[%select_n3A_38, %dma_start3A_226, %dma_start3A_227, %dma_start3A_228] : memref<2x2x8x128xi32, #tpu.memory_space<vmem>> -> memref<1x1x1x128xi32, #tpu.memory_space<vmem>>
      %dma_start3A_230 = tpu.memref_squeeze %dma_start3A_229 : memref<1x1x1x128xi32, #tpu.memory_space<vmem>> -> memref<128xi32, #tpu.memory_space<vmem>>
      %dma_start3A_231 = arith.constant 0 : i32
      %dma_start3A_232 = arith.constant 0 : i32
      %dma_start3A_233 = tpu.memref_slice %arg2[%dma_start3A_231, %dma_start3A_232] : memref<20480x128xf32, #tpu.memory_space<hbm>> -> memref<20480x128xf32, #tpu.memory_space<hbm>>
      tpu.enqueue_indirect_dma source(%dma_start3A_233 : memref<20480x128xf32, #tpu.memory_space<hbm>>) target(%arg7 : memref<128x128xf32, #tpu.memory_space<vmem>>) offsets(%dma_start3A_230 : memref<128xi32, #tpu.memory_space<vmem>>) semaphore(%arg12 : memref<!tpu.dma_semaphore, #tpu.memory_space<semaphore_mem>>)
      %dma_wait3A_234 = arith.constant 0 : i32
      %dma_wait3A_235 = arith.constant 5 : i32
      %dma_wait3A_236 = arith.constant 0 : i32
      %dma_wait3A_237 = tpu.memref_slice %arg8[%select_n3A_38, %dma_wait3A_234, %dma_wait3A_235, %dma_wait3A_236] : memref<2x2x8x128xi32, #tpu.memory_space<vmem>> -> memref<1x1x1x128xi32, #tpu.memory_space<vmem>>
      %dma_wait3A_238 = tpu.memref_squeeze %dma_wait3A_237 : memref<1x1x1x128xi32, #tpu.memory_space<vmem>> -> memref<128xi32, #tpu.memory_space<vmem>>
      %dma_wait3A_239 = arith.constant 0 : i32
      %dma_wait3A_240 = arith.constant 0 : i32
      %dma_wait3A_241 = tpu.memref_slice %arg2[%dma_wait3A_239, %dma_wait3A_240] : memref<20480x128xf32, #tpu.memory_space<hbm>> -> memref<20480x128xf32, #tpu.memory_space<hbm>>
      tpu.wait_indirect_dma semaphore(%arg12 : memref<!tpu.dma_semaphore, #tpu.memory_space<semaphore_mem>>) src(%dma_wait3A_241 : memref<20480x128xf32, #tpu.memory_space<hbm>>) dst(%arg7 : memref<128x128xf32, #tpu.memory_space<vmem>>)
      %dma_start3A_242 = arith.constant 1 : i32
      %dma_start3A_243 = arith.constant 5 : i32
      %dma_start3A_244 = arith.constant 0 : i32
      %dma_start3A_245 = tpu.memref_slice %arg8[%select_n3A_38, %dma_start3A_242, %dma_start3A_243, %dma_start3A_244] : memref<2x2x8x128xi32, #tpu.memory_space<vmem>> -> memref<1x1x1x128xi32, #tpu.memory_space<vmem>>
      %dma_start3A_246 = tpu.memref_squeeze %dma_start3A_245 : memref<1x1x1x128xi32, #tpu.memory_space<vmem>> -> memref<128xi32, #tpu.memory_space<vmem>>
      %dma_start3A_247 = arith.constant 0 : i32
      %dma_start3A_248 = arith.constant 0 : i32
      %dma_start3A_249 = tpu.memref_slice %arg9[%dma_start3A_247, %dma_start3A_248] : memref<10240x128xf32, #tpu.memory_space<vmem_shared>> -> memref<10240x128xf32, #tpu.memory_space<vmem_shared>>
      tpu.enqueue_indirect_dma source(%arg7 : memref<128x128xf32, #tpu.memory_space<vmem>>) target(%dma_start3A_249 : memref<10240x128xf32, #tpu.memory_space<vmem_shared>>) offsets(%dma_start3A_246 : memref<128xi32, #tpu.memory_space<vmem>>) semaphore(%arg14 : memref<!tpu.dma_semaphore, #tpu.memory_space<semaphore_mem>>) {add = true}
      %dma_wait3A_250 = arith.constant 1 : i32
      %dma_wait3A_251 = arith.constant 0 : i32
      %dma_wait3A_252 = arith.constant 0 : i32
      %dma_wait3A_253 = tpu.memref_slice %arg8[%select_n3A_38, %dma_wait3A_250, %dma_wait3A_251, %dma_wait3A_252] : memref<2x2x8x128xi32, #tpu.memory_space<vmem>> -> memref<1x1x1x128xi32, #tpu.memory_space<vmem>>
      %dma_wait3A_254 = tpu.memref_squeeze %dma_wait3A_253 : memref<1x1x1x128xi32, #tpu.memory_space<vmem>> -> memref<128xi32, #tpu.memory_space<vmem>>
      %dma_wait3A_255 = arith.constant 0 : i32
      %dma_wait3A_256 = arith.constant 0 : i32
      %dma_wait3A_257 = tpu.memref_slice %arg9[%dma_wait3A_255, %dma_wait3A_256] : memref<10240x128xf32, #tpu.memory_space<vmem_shared>> -> memref<10240x128xf32, #tpu.memory_space<vmem_shared>>
      tpu.wait_indirect_dma semaphore(%arg13 : memref<!tpu.dma_semaphore, #tpu.memory_space<semaphore_mem>>) src(%arg6 : memref<128x128xf32, #tpu.memory_space<vmem>>) dst(%dma_wait3A_257 : memref<10240x128xf32, #tpu.memory_space<vmem_shared>>)
      %dma_wait3A_258 = arith.constant 0 : i32
      %dma_wait3A_259 = arith.constant 0 : i32
      %dma_wait3A_260 = arith.constant 0 : i32
      %dma_wait3A_261 = tpu.memref_slice %arg8[%select_n3A_56, %dma_wait3A_258, %dma_wait3A_259, %dma_wait3A_260] : memref<2x2x8x128xi32, #tpu.memory_space<vmem>> -> memref<1x2x8x128xi32, #tpu.memory_space<vmem>>
      %dma_wait3A_262 = tpu.memref_squeeze %dma_wait3A_261 : memref<1x2x8x128xi32, #tpu.memory_space<vmem>> -> memref<2x8x128xi32, #tpu.memory_space<vmem>>
      %dma_wait3A_263 = arith.constant 0 : i32
      %dma_wait3A_264 = arith.constant 0 : i32
      %dma_wait3A_265 = arith.constant 0 : i32
      %dma_wait3A_266 = tpu.memref_slice %arg4[%arg0, %arg1, %min3A_59, %dma_wait3A_263, %dma_wait3A_264, %dma_wait3A_265] : memref<2x16x20x2x8x128xi32, #tpu.memory_space<hbm>> -> memref<1x1x1x2x8x128xi32, #tpu.memory_space<hbm>>
      %dma_wait3A_267 = tpu.memref_squeeze %dma_wait3A_266 : memref<1x1x1x2x8x128xi32, #tpu.memory_space<hbm>> -> memref<2x8x128xi32, #tpu.memory_space<hbm>>
      %dma_wait3A_268 = arith.constant 0 : i32
      %dma_wait3A_269 = arith.constant 0 : i32
      %dma_wait3A_270 = arith.constant 0 : i32
      %dma_wait3A_271 = tpu.memref_slice %arg8[%select_n3A_56, %dma_wait3A_268, %dma_wait3A_269, %dma_wait3A_270] : memref<2x2x8x128xi32, #tpu.memory_space<vmem>> -> memref<1x2x8x128xi32, #tpu.memory_space<vmem>>
      %dma_wait3A_272 = tpu.memref_squeeze %dma_wait3A_271 : memref<1x2x8x128xi32, #tpu.memory_space<vmem>> -> memref<2x8x128xi32, #tpu.memory_space<vmem>>
      %dma_wait3A_273 = arith.constant 0 : i32
      %dma_wait3A_274 = arith.constant 0 : i32
      %dma_wait3A_275 = arith.constant 0 : i32
      %dma_wait3A_276 = tpu.memref_slice %arg4[%arg0, %arg1, %min3A_59, %dma_wait3A_273, %dma_wait3A_274, %dma_wait3A_275] : memref<2x16x20x2x8x128xi32, #tpu.memory_space<hbm>> -> memref<1x1x1x2x8x128xi32, #tpu.memory_space<hbm>>
      %dma_wait3A_277 = tpu.memref_squeeze %dma_wait3A_276 : memref<1x1x1x2x8x128xi32, #tpu.memory_space<hbm>> -> memref<2x8x128xi32, #tpu.memory_space<hbm>>
      tpu.wait_dma2 semaphore(%arg10 : memref<!tpu.dma_semaphore, #tpu.memory_space<semaphore_mem>>) src(%dma_wait3A_277 : memref<2x8x128xi32, #tpu.memory_space<hbm>>) dst(%dma_wait3A_272 : memref<2x8x128xi32, #tpu.memory_space<vmem>>)
      %dma_start3A_278 = arith.constant 0 : i32
      %dma_start3A_279 = arith.constant 6 : i32
      %dma_start3A_280 = arith.constant 0 : i32
      %dma_start3A_281 = tpu.memref_slice %arg8[%select_n3A_38, %dma_start3A_278, %dma_start3A_279, %dma_start3A_280] : memref<2x2x8x128xi32, #tpu.memory_space<vmem>> -> memref<1x1x1x128xi32, #tpu.memory_space<vmem>>
      %dma_start3A_282 = tpu.memref_squeeze %dma_start3A_281 : memref<1x1x1x128xi32, #tpu.memory_space<vmem>> -> memref<128xi32, #tpu.memory_space<vmem>>
      %dma_start3A_283 = arith.constant 0 : i32
      %dma_start3A_284 = arith.constant 0 : i32
      %dma_start3A_285 = tpu.memref_slice %arg2[%dma_start3A_283, %dma_start3A_284] : memref<20480x128xf32, #tpu.memory_space<hbm>> -> memref<20480x128xf32, #tpu.memory_space<hbm>>
      tpu.enqueue_indirect_dma source(%dma_start3A_285 : memref<20480x128xf32, #tpu.memory_space<hbm>>) target(%arg6 : memref<128x128xf32, #tpu.memory_space<vmem>>) offsets(%dma_start3A_282 : memref<128xi32, #tpu.memory_space<vmem>>) semaphore(%arg11 : memref<!tpu.dma_semaphore, #tpu.memory_space<semaphore_mem>>)
      %dma_wait3A_286 = arith.constant 0 : i32
      %dma_wait3A_287 = arith.constant 6 : i32
      %dma_wait3A_288 = arith.constant 0 : i32
      %dma_wait3A_289 = tpu.memref_slice %arg8[%select_n3A_38, %dma_wait3A_286, %dma_wait3A_287, %dma_wait3A_288] : memref<2x2x8x128xi32, #tpu.memory_space<vmem>> -> memref<1x1x1x128xi32, #tpu.memory_space<vmem>>
      %dma_wait3A_290 = tpu.memref_squeeze %dma_wait3A_289 : memref<1x1x1x128xi32, #tpu.memory_space<vmem>> -> memref<128xi32, #tpu.memory_space<vmem>>
      %dma_wait3A_291 = arith.constant 0 : i32
      %dma_wait3A_292 = arith.constant 0 : i32
      %dma_wait3A_293 = tpu.memref_slice %arg2[%dma_wait3A_291, %dma_wait3A_292] : memref<20480x128xf32, #tpu.memory_space<hbm>> -> memref<20480x128xf32, #tpu.memory_space<hbm>>
      tpu.wait_indirect_dma semaphore(%arg11 : memref<!tpu.dma_semaphore, #tpu.memory_space<semaphore_mem>>) src(%dma_wait3A_293 : memref<20480x128xf32, #tpu.memory_space<hbm>>) dst(%arg6 : memref<128x128xf32, #tpu.memory_space<vmem>>)
      %dma_start3A_294 = arith.constant 1 : i32
      %dma_start3A_295 = arith.constant 6 : i32
      %dma_start3A_296 = arith.constant 0 : i32
      %dma_start3A_297 = tpu.memref_slice %arg8[%select_n3A_38, %dma_start3A_294, %dma_start3A_295, %dma_start3A_296] : memref<2x2x8x128xi32, #tpu.memory_space<vmem>> -> memref<1x1x1x128xi32, #tpu.memory_space<vmem>>
      %dma_start3A_298 = tpu.memref_squeeze %dma_start3A_297 : memref<1x1x1x128xi32, #tpu.memory_space<vmem>> -> memref<128xi32, #tpu.memory_space<vmem>>
      %dma_start3A_299 = arith.constant 0 : i32
      %dma_start3A_300 = arith.constant 0 : i32
      %dma_start3A_301 = tpu.memref_slice %arg9[%dma_start3A_299, %dma_start3A_300] : memref<10240x128xf32, #tpu.memory_space<vmem_shared>> -> memref<10240x128xf32, #tpu.memory_space<vmem_shared>>
      tpu.enqueue_indirect_dma source(%arg6 : memref<128x128xf32, #tpu.memory_space<vmem>>) target(%dma_start3A_301 : memref<10240x128xf32, #tpu.memory_space<vmem_shared>>) offsets(%dma_start3A_298 : memref<128xi32, #tpu.memory_space<vmem>>) semaphore(%arg13 : memref<!tpu.dma_semaphore, #tpu.memory_space<semaphore_mem>>) {add = true}
      %dma_wait3A_302 = arith.constant 1 : i32
      %dma_wait3A_303 = arith.constant 0 : i32
      %dma_wait3A_304 = arith.constant 0 : i32
      %dma_wait3A_305 = tpu.memref_slice %arg8[%select_n3A_38, %dma_wait3A_302, %dma_wait3A_303, %dma_wait3A_304] : memref<2x2x8x128xi32, #tpu.memory_space<vmem>> -> memref<1x1x1x128xi32, #tpu.memory_space<vmem>>
      %dma_wait3A_306 = tpu.memref_squeeze %dma_wait3A_305 : memref<1x1x1x128xi32, #tpu.memory_space<vmem>> -> memref<128xi32, #tpu.memory_space<vmem>>
      %dma_wait3A_307 = arith.constant 0 : i32
      %dma_wait3A_308 = arith.constant 0 : i32
      %dma_wait3A_309 = tpu.memref_slice %arg9[%dma_wait3A_307, %dma_wait3A_308] : memref<10240x128xf32, #tpu.memory_space<vmem_shared>> -> memref<10240x128xf32, #tpu.memory_space<vmem_shared>>
      tpu.wait_indirect_dma semaphore(%arg14 : memref<!tpu.dma_semaphore, #tpu.memory_space<semaphore_mem>>) src(%arg7 : memref<128x128xf32, #tpu.memory_space<vmem>>) dst(%dma_wait3A_309 : memref<10240x128xf32, #tpu.memory_space<vmem_shared>>)
      %dma_start3A_310 = arith.constant 0 : i32
      %dma_start3A_311 = arith.constant 7 : i32
      %dma_start3A_312 = arith.constant 0 : i32
      %dma_start3A_313 = tpu.memref_slice %arg8[%select_n3A_38, %dma_start3A_310, %dma_start3A_311, %dma_start3A_312] : memref<2x2x8x128xi32, #tpu.memory_space<vmem>> -> memref<1x1x1x128xi32, #tpu.memory_space<vmem>>
      %dma_start3A_314 = tpu.memref_squeeze %dma_start3A_313 : memref<1x1x1x128xi32, #tpu.memory_space<vmem>> -> memref<128xi32, #tpu.memory_space<vmem>>
      %dma_start3A_315 = arith.constant 0 : i32
      %dma_start3A_316 = arith.constant 0 : i32
      %dma_start3A_317 = tpu.memref_slice %arg2[%dma_start3A_315, %dma_start3A_316] : memref<20480x128xf32, #tpu.memory_space<hbm>> -> memref<20480x128xf32, #tpu.memory_space<hbm>>
      tpu.enqueue_indirect_dma source(%dma_start3A_317 : memref<20480x128xf32, #tpu.memory_space<hbm>>) target(%arg7 : memref<128x128xf32, #tpu.memory_space<vmem>>) offsets(%dma_start3A_314 : memref<128xi32, #tpu.memory_space<vmem>>) semaphore(%arg12 : memref<!tpu.dma_semaphore, #tpu.memory_space<semaphore_mem>>)
      %dma_wait3A_318 = arith.constant 0 : i32
      %dma_wait3A_319 = arith.constant 7 : i32
      %dma_wait3A_320 = arith.constant 0 : i32
      %dma_wait3A_321 = tpu.memref_slice %arg8[%select_n3A_38, %dma_wait3A_318, %dma_wait3A_319, %dma_wait3A_320] : memref<2x2x8x128xi32, #tpu.memory_space<vmem>> -> memref<1x1x1x128xi32, #tpu.memory_space<vmem>>
      %dma_wait3A_322 = tpu.memref_squeeze %dma_wait3A_321 : memref<1x1x1x128xi32, #tpu.memory_space<vmem>> -> memref<128xi32, #tpu.memory_space<vmem>>
      %dma_wait3A_323 = arith.constant 0 : i32
      %dma_wait3A_324 = arith.constant 0 : i32
      %dma_wait3A_325 = tpu.memref_slice %arg2[%dma_wait3A_323, %dma_wait3A_324] : memref<20480x128xf32, #tpu.memory_space<hbm>> -> memref<20480x128xf32, #tpu.memory_space<hbm>>
      tpu.wait_indirect_dma semaphore(%arg12 : memref<!tpu.dma_semaphore, #tpu.memory_space<semaphore_mem>>) src(%dma_wait3A_325 : memref<20480x128xf32, #tpu.memory_space<hbm>>) dst(%arg7 : memref<128x128xf32, #tpu.memory_space<vmem>>)
      %dma_start3A_326 = arith.constant 1 : i32
      %dma_start3A_327 = arith.constant 7 : i32
      %dma_start3A_328 = arith.constant 0 : i32
      %dma_start3A_329 = tpu.memref_slice %arg8[%select_n3A_38, %dma_start3A_326, %dma_start3A_327, %dma_start3A_328] : memref<2x2x8x128xi32, #tpu.memory_space<vmem>> -> memref<1x1x1x128xi32, #tpu.memory_space<vmem>>
      %dma_start3A_330 = tpu.memref_squeeze %dma_start3A_329 : memref<1x1x1x128xi32, #tpu.memory_space<vmem>> -> memref<128xi32, #tpu.memory_space<vmem>>
      %dma_start3A_331 = arith.constant 0 : i32
      %dma_start3A_332 = arith.constant 0 : i32
      %dma_start3A_333 = tpu.memref_slice %arg9[%dma_start3A_331, %dma_start3A_332] : memref<10240x128xf32, #tpu.memory_space<vmem_shared>> -> memref<10240x128xf32, #tpu.memory_space<vmem_shared>>
      tpu.enqueue_indirect_dma source(%arg7 : memref<128x128xf32, #tpu.memory_space<vmem>>) target(%dma_start3A_333 : memref<10240x128xf32, #tpu.memory_space<vmem_shared>>) offsets(%dma_start3A_330 : memref<128xi32, #tpu.memory_space<vmem>>) semaphore(%arg14 : memref<!tpu.dma_semaphore, #tpu.memory_space<semaphore_mem>>) {add = true}
      %dma_wait3A_334 = arith.constant 1 : i32
      %dma_wait3A_335 = arith.constant 0 : i32
      %dma_wait3A_336 = arith.constant 0 : i32
      %dma_wait3A_337 = tpu.memref_slice %arg8[%select_n3A_38, %dma_wait3A_334, %dma_wait3A_335, %dma_wait3A_336] : memref<2x2x8x128xi32, #tpu.memory_space<vmem>> -> memref<1x1x1x128xi32, #tpu.memory_space<vmem>>
      %dma_wait3A_338 = tpu.memref_squeeze %dma_wait3A_337 : memref<1x1x1x128xi32, #tpu.memory_space<vmem>> -> memref<128xi32, #tpu.memory_space<vmem>>
      %dma_wait3A_339 = arith.constant 0 : i32
      %dma_wait3A_340 = arith.constant 0 : i32
      %dma_wait3A_341 = tpu.memref_slice %arg9[%dma_wait3A_339, %dma_wait3A_340] : memref<10240x128xf32, #tpu.memory_space<vmem_shared>> -> memref<10240x128xf32, #tpu.memory_space<vmem_shared>>
      tpu.wait_indirect_dma semaphore(%arg13 : memref<!tpu.dma_semaphore, #tpu.memory_space<semaphore_mem>>) src(%arg6 : memref<128x128xf32, #tpu.memory_space<vmem>>) dst(%dma_wait3A_341 : memref<10240x128xf32, #tpu.memory_space<vmem_shared>>)
      %lt3A_342 = arith.constant 19 : i32
      %lt3A_343 = arith.cmpi slt, %add3A_29, %lt3A_342 : i32
      %convert_element_type3A_344 = arith.extui %lt3A_343 : i1 to i32
      %cond3A_345 = arith.constant 0 : i32
      %cond3A_346 = arith.cmpi ne, %convert_element_type3A_344, %cond3A_345 : i32
      scf.if %cond3A_346 {
        %dma_start3A_347 = arith.constant 0 : i32
        %dma_start3A_348 = arith.constant 0 : i32
        %dma_start3A_349 = arith.constant 0 : i32
        %dma_start3A_350 = tpu.memref_slice %arg8[%select_n3A_56, %dma_start3A_347, %dma_start3A_348, %dma_start3A_349] : memref<2x2x8x128xi32, #tpu.memory_space<vmem>> -> memref<1x1x1x128xi32, #tpu.memory_space<vmem>>
        %dma_start3A_351 = tpu.memref_squeeze %dma_start3A_350 : memref<1x1x1x128xi32, #tpu.memory_space<vmem>> -> memref<128xi32, #tpu.memory_space<vmem>>
        %dma_start3A_352 = arith.constant 0 : i32
        %dma_start3A_353 = arith.constant 0 : i32
        %dma_start3A_354 = tpu.memref_slice %arg2[%dma_start3A_352, %dma_start3A_353] : memref<20480x128xf32, #tpu.memory_space<hbm>> -> memref<20480x128xf32, #tpu.memory_space<hbm>>
        tpu.enqueue_indirect_dma source(%dma_start3A_354 : memref<20480x128xf32, #tpu.memory_space<hbm>>) target(%arg6 : memref<128x128xf32, #tpu.memory_space<vmem>>) offsets(%dma_start3A_351 : memref<128xi32, #tpu.memory_space<vmem>>) semaphore(%arg11 : memref<!tpu.dma_semaphore, #tpu.memory_space<semaphore_mem>>)
      } else {
      }
    }
    %scan3A_15 = arith.constant 20 : i32
    %dma_wait3A = arith.constant 0 : i32
    %dma_wait3A_16 = arith.constant 1 : i32
    %dma_wait3A_17 = arith.constant 0 : i32
    %dma_wait3A_18 = arith.constant 0 : i32
    %dma_wait3A_19 = tpu.memref_slice %arg8[%dma_wait3A, %dma_wait3A_16, %dma_wait3A_17, %dma_wait3A_18] : memref<2x2x8x128xi32, #tpu.memory_space<vmem>> -> memref<1x1x1x128xi32, #tpu.memory_space<vmem>>
    %dma_wait3A_20 = tpu.memref_squeeze %dma_wait3A_19 : memref<1x1x1x128xi32, #tpu.memory_space<vmem>> -> memref<128xi32, #tpu.memory_space<vmem>>
    %dma_wait3A_21 = arith.constant 0 : i32
    %dma_wait3A_22 = arith.constant 0 : i32
    %dma_wait3A_23 = tpu.memref_slice %arg9[%dma_wait3A_21, %dma_wait3A_22] : memref<10240x128xf32, #tpu.memory_space<vmem_shared>> -> memref<10240x128xf32, #tpu.memory_space<vmem_shared>>
    tpu.wait_indirect_dma semaphore(%arg14 : memref<!tpu.dma_semaphore, #tpu.memory_space<semaphore_mem>>) src(%arg7 : memref<128x128xf32, #tpu.memory_space<vmem>>) dst(%dma_wait3A_23 : memref<10240x128xf32, #tpu.memory_space<vmem_shared>>)
    %barrier3A_24 = arith.constant 0 : index
    tpu.barrier barrier_id(%barrier3A_24)
    "tpu.region"() ({
      %run_scoped3A_25 = tpu.sem_alloc : memref<!tpu.dma_semaphore, #tpu.memory_space<semaphore_mem>>
      %dma_start3A_26 = arith.constant 0 : i32
      %dma_start3A_27 = tpu.memref_slice %arg5[%arg0, %mul3A_0, %dma_start3A_26] : memref<2x10240x128xf32, #tpu.memory_space<hbm>> -> memref<1x640x128xf32, #tpu.memory_space<hbm>>
      %dma_start3A_28 = tpu.memref_squeeze %dma_start3A_27 : memref<1x640x128xf32, #tpu.memory_space<hbm>> -> memref<640x128xf32, #tpu.memory_space<hbm>>
      %dma_start3A_29 = arith.constant 0 : i32
      %dma_start3A_30 = tpu.memref_slice %arg9[%mul3A_0, %dma_start3A_29] : memref<10240x128xf32, #tpu.memory_space<vmem_shared>> -> memref<640x128xf32, #tpu.memory_space<vmem_shared>>
      tpu.enqueue_dma source(%dma_start3A_30 : memref<640x128xf32, #tpu.memory_space<vmem_shared>>) target(%dma_start3A_28 : memref<640x128xf32, #tpu.memory_space<hbm>>) target_semaphore(%run_scoped3A_25 : memref<!tpu.dma_semaphore, #tpu.memory_space<semaphore_mem>>)
      %dma_wait3A_31 = arith.constant 0 : i32
      %dma_wait3A_32 = tpu.memref_slice %arg5[%arg0, %mul3A_0, %dma_wait3A_31] : memref<2x10240x128xf32, #tpu.memory_space<hbm>> -> memref<1x640x128xf32, #tpu.memory_space<hbm>>
      %dma_wait3A_33 = tpu.memref_squeeze %dma_wait3A_32 : memref<1x640x128xf32, #tpu.memory_space<hbm>> -> memref<640x128xf32, #tpu.memory_space<hbm>>
      %dma_wait3A_34 = arith.constant 0 : i32
      %dma_wait3A_35 = tpu.memref_slice %arg9[%mul3A_0, %dma_wait3A_34] : memref<10240x128xf32, #tpu.memory_space<vmem_shared>> -> memref<640x128xf32, #tpu.memory_space<vmem_shared>>
      tpu.wait_dma2 semaphore(%run_scoped3A_25 : memref<!tpu.dma_semaphore, #tpu.memory_space<semaphore_mem>>) src(%dma_wait3A_35 : memref<640x128xf32, #tpu.memory_space<vmem_shared>>) dst(%dma_wait3A_33 : memref<640x128xf32, #tpu.memory_space<hbm>>)
      tpu.yield
    }) : () -> ()
    return
  }
}

#map = affine_map<(d0, d1) -> (0, 0)>
#map1 = affine_map<(d0, d1) -> (0, 0, 0, 0, 0, 0)>
#map2 = affine_map<(d0, d1) -> (0, 0, 0)>
module attributes {stable_mosaic.version = 14 : i64} {
  func.func @body(%arg0: i32, %arg1: i32, %arg2: memref<10000x128xf32, #tpu.memory_space<hbm>>, %arg3: memref<10240x128xf32, #tpu.memory_space<hbm>>, %arg4: memref<2x16x10x2x8x128xi32, #tpu.memory_space<hbm>>, %arg5: memref<2x10240x128xf32, #tpu.memory_space<hbm>>, %arg6: memref<128x128xf32, #tpu.memory_space<vmem>>, %arg7: memref<128x128xf32, #tpu.memory_space<vmem>>, %arg8: memref<2x2x8x128xi32, #tpu.memory_space<vmem>>, %arg9: memref<10240x128xf32, #tpu.memory_space<vmem_shared>>, %arg10: memref<!tpu.dma_semaphore, #tpu.memory_space<semaphore_mem>>, %arg11: memref<!tpu.dma_semaphore, #tpu.memory_space<semaphore_mem>>, %arg12: memref<!tpu.dma_semaphore, #tpu.memory_space<semaphore_mem>>, %arg13: memref<!tpu.dma_semaphore, #tpu.memory_space<semaphore_mem>>, %arg14: memref<!tpu.dma_semaphore, #tpu.memory_space<semaphore_mem>>) attributes {dimension_semantics = [#tpu.dimension_semantics<core_parallel>, #tpu.dimension_semantics<subcore_parallel>], iteration_bounds = array<i64: 2, 16>, scalar_prefetch = 0 : i64, scratch_operands = 9 : i64, tpu.core_type = #tpu.core_type<sc_vector_subcore>, window_params = [{transform_indices = #map}, {transform_indices = #map}, {transform_indices = #map1}, {transform_indices = #map2}]} {
    %mul3A = arith.constant 640 : i32
    %mul3A_0 = arith.muli %arg1, %mul3A : i32
    %mul3A_1 = arith.constant 0 : i32
    %mul3A_2 = arith.muli %arg0, %mul3A_1 : i32
    %add3A = arith.addi %mul3A_2, %mul3A_0 : i32
    "tpu.region"() ({
      %run_scoped3A_25 = tpu.sem_alloc : memref<!tpu.dma_semaphore, #tpu.memory_space<semaphore_mem>>
      %dma_start3A_26 = arith.constant 0 : i32
      %dma_start3A_27 = tpu.memref_slice %arg9[%mul3A_0, %dma_start3A_26] : memref<10240x128xf32, #tpu.memory_space<vmem_shared>> -> memref<640x128xf32, #tpu.memory_space<vmem_shared>>
      %dma_start3A_28 = arith.constant 0 : i32
      %dma_start3A_29 = tpu.memref_slice %arg3[%add3A, %dma_start3A_28] : memref<10240x128xf32, #tpu.memory_space<hbm>> -> memref<640x128xf32, #tpu.memory_space<hbm>>
      tpu.enqueue_dma source(%dma_start3A_29 : memref<640x128xf32, #tpu.memory_space<hbm>>) target(%dma_start3A_27 : memref<640x128xf32, #tpu.memory_space<vmem_shared>>) target_semaphore(%run_scoped3A_25 : memref<!tpu.dma_semaphore, #tpu.memory_space<semaphore_mem>>)
      %dma_wait3A_30 = arith.constant 0 : i32
      %dma_wait3A_31 = tpu.memref_slice %arg9[%mul3A_0, %dma_wait3A_30] : memref<10240x128xf32, #tpu.memory_space<vmem_shared>> -> memref<640x128xf32, #tpu.memory_space<vmem_shared>>
      %dma_wait3A_32 = arith.constant 0 : i32
      %dma_wait3A_33 = tpu.memref_slice %arg3[%add3A, %dma_wait3A_32] : memref<10240x128xf32, #tpu.memory_space<hbm>> -> memref<640x128xf32, #tpu.memory_space<hbm>>
      tpu.wait_dma2 semaphore(%run_scoped3A_25 : memref<!tpu.dma_semaphore, #tpu.memory_space<semaphore_mem>>) src(%dma_wait3A_33 : memref<640x128xf32, #tpu.memory_space<hbm>>) dst(%dma_wait3A_31 : memref<640x128xf32, #tpu.memory_space<vmem_shared>>)
      tpu.yield
    }) : () -> ()
    %barrier3A = arith.constant 0 : index
    tpu.barrier barrier_id(%barrier3A)
    %run_scoped3A = arith.constant 0 : i32
    %run_scoped3A_3 = arith.constant 0 : i32
    "tpu.region"() ({
      %run_scoped3A_25 = tpu.sem_alloc : memref<!tpu.dma_semaphore, #tpu.memory_space<semaphore_mem>>
      %dma_start3A_26 = arith.constant 0 : i32
      %dma_start3A_27 = arith.constant 0 : i32
      %dma_start3A_28 = arith.constant 0 : i32
      %dma_start3A_29 = tpu.memref_slice %arg8[%run_scoped3A_3, %dma_start3A_26, %dma_start3A_27, %dma_start3A_28] : memref<2x2x8x128xi32, #tpu.memory_space<vmem>> -> memref<1x2x8x128xi32, #tpu.memory_space<vmem>>
      %dma_start3A_30 = tpu.memref_squeeze %dma_start3A_29 : memref<1x2x8x128xi32, #tpu.memory_space<vmem>> -> memref<2x8x128xi32, #tpu.memory_space<vmem>>
      %dma_start3A_31 = arith.constant 0 : i32
      %dma_start3A_32 = arith.constant 0 : i32
      %dma_start3A_33 = arith.constant 0 : i32
      %dma_start3A_34 = tpu.memref_slice %arg4[%arg0, %arg1, %run_scoped3A, %dma_start3A_31, %dma_start3A_32, %dma_start3A_33] : memref<2x16x10x2x8x128xi32, #tpu.memory_space<hbm>> -> memref<1x1x1x2x8x128xi32, #tpu.memory_space<hbm>>
      %dma_start3A_35 = tpu.memref_squeeze %dma_start3A_34 : memref<1x1x1x2x8x128xi32, #tpu.memory_space<hbm>> -> memref<2x8x128xi32, #tpu.memory_space<hbm>>
      %dma_start3A_36 = arith.constant 0 : i32
      %dma_start3A_37 = arith.constant 0 : i32
      %dma_start3A_38 = arith.constant 0 : i32
      %dma_start3A_39 = tpu.memref_slice %arg8[%run_scoped3A_3, %dma_start3A_36, %dma_start3A_37, %dma_start3A_38] : memref<2x2x8x128xi32, #tpu.memory_space<vmem>> -> memref<1x2x8x128xi32, #tpu.memory_space<vmem>>
      %dma_start3A_40 = tpu.memref_squeeze %dma_start3A_39 : memref<1x2x8x128xi32, #tpu.memory_space<vmem>> -> memref<2x8x128xi32, #tpu.memory_space<vmem>>
      %dma_start3A_41 = arith.constant 0 : i32
      %dma_start3A_42 = arith.constant 0 : i32
      %dma_start3A_43 = arith.constant 0 : i32
      %dma_start3A_44 = tpu.memref_slice %arg4[%arg0, %arg1, %run_scoped3A, %dma_start3A_41, %dma_start3A_42, %dma_start3A_43] : memref<2x16x10x2x8x128xi32, #tpu.memory_space<hbm>> -> memref<1x1x1x2x8x128xi32, #tpu.memory_space<hbm>>
      %dma_start3A_45 = tpu.memref_squeeze %dma_start3A_44 : memref<1x1x1x2x8x128xi32, #tpu.memory_space<hbm>> -> memref<2x8x128xi32, #tpu.memory_space<hbm>>
      tpu.enqueue_dma source(%dma_start3A_45 : memref<2x8x128xi32, #tpu.memory_space<hbm>>) target(%dma_start3A_40 : memref<2x8x128xi32, #tpu.memory_space<vmem>>) target_semaphore(%run_scoped3A_25 : memref<!tpu.dma_semaphore, #tpu.memory_space<semaphore_mem>>)
      %dma_wait3A_46 = arith.constant 0 : i32
      %dma_wait3A_47 = arith.constant 0 : i32
      %dma_wait3A_48 = arith.constant 0 : i32
      %dma_wait3A_49 = tpu.memref_slice %arg8[%run_scoped3A_3, %dma_wait3A_46, %dma_wait3A_47, %dma_wait3A_48] : memref<2x2x8x128xi32, #tpu.memory_space<vmem>> -> memref<1x2x8x128xi32, #tpu.memory_space<vmem>>
      %dma_wait3A_50 = tpu.memref_squeeze %dma_wait3A_49 : memref<1x2x8x128xi32, #tpu.memory_space<vmem>> -> memref<2x8x128xi32, #tpu.memory_space<vmem>>
      %dma_wait3A_51 = arith.constant 0 : i32
      %dma_wait3A_52 = arith.constant 0 : i32
      %dma_wait3A_53 = arith.constant 0 : i32
      %dma_wait3A_54 = tpu.memref_slice %arg4[%arg0, %arg1, %run_scoped3A, %dma_wait3A_51, %dma_wait3A_52, %dma_wait3A_53] : memref<2x16x10x2x8x128xi32, #tpu.memory_space<hbm>> -> memref<1x1x1x2x8x128xi32, #tpu.memory_space<hbm>>
      %dma_wait3A_55 = tpu.memref_squeeze %dma_wait3A_54 : memref<1x1x1x2x8x128xi32, #tpu.memory_space<hbm>> -> memref<2x8x128xi32, #tpu.memory_space<hbm>>
      %dma_wait3A_56 = arith.constant 0 : i32
      %dma_wait3A_57 = arith.constant 0 : i32
      %dma_wait3A_58 = arith.constant 0 : i32
      %dma_wait3A_59 = tpu.memref_slice %arg8[%run_scoped3A_3, %dma_wait3A_56, %dma_wait3A_57, %dma_wait3A_58] : memref<2x2x8x128xi32, #tpu.memory_space<vmem>> -> memref<1x2x8x128xi32, #tpu.memory_space<vmem>>
      %dma_wait3A_60 = tpu.memref_squeeze %dma_wait3A_59 : memref<1x2x8x128xi32, #tpu.memory_space<vmem>> -> memref<2x8x128xi32, #tpu.memory_space<vmem>>
      %dma_wait3A_61 = arith.constant 0 : i32
      %dma_wait3A_62 = arith.constant 0 : i32
      %dma_wait3A_63 = arith.constant 0 : i32
      %dma_wait3A_64 = tpu.memref_slice %arg4[%arg0, %arg1, %run_scoped3A, %dma_wait3A_61, %dma_wait3A_62, %dma_wait3A_63] : memref<2x16x10x2x8x128xi32, #tpu.memory_space<hbm>> -> memref<1x1x1x2x8x128xi32, #tpu.memory_space<hbm>>
      %dma_wait3A_65 = tpu.memref_squeeze %dma_wait3A_64 : memref<1x1x1x2x8x128xi32, #tpu.memory_space<hbm>> -> memref<2x8x128xi32, #tpu.memory_space<hbm>>
      tpu.wait_dma2 semaphore(%run_scoped3A_25 : memref<!tpu.dma_semaphore, #tpu.memory_space<semaphore_mem>>) src(%dma_wait3A_65 : memref<2x8x128xi32, #tpu.memory_space<hbm>>) dst(%dma_wait3A_60 : memref<2x8x128xi32, #tpu.memory_space<vmem>>)
      tpu.yield
    }) : () -> ()
    %dma_start3A = arith.constant 0 : i32
    %dma_start3A_4 = arith.constant 0 : i32
    %dma_start3A_5 = arith.constant 0 : i32
    %dma_start3A_6 = arith.constant 0 : i32
    %dma_start3A_7 = tpu.memref_slice %arg8[%dma_start3A, %dma_start3A_4, %dma_start3A_5, %dma_start3A_6] : memref<2x2x8x128xi32, #tpu.memory_space<vmem>> -> memref<1x1x1x128xi32, #tpu.memory_space<vmem>>
    %dma_start3A_8 = tpu.memref_squeeze %dma_start3A_7 : memref<1x1x1x128xi32, #tpu.memory_space<vmem>> -> memref<128xi32, #tpu.memory_space<vmem>>
    %dma_start3A_9 = arith.constant 0 : i32
    %dma_start3A_10 = arith.constant 0 : i32
    %dma_start3A_11 = tpu.memref_slice %arg2[%dma_start3A_9, %dma_start3A_10] : memref<10000x128xf32, #tpu.memory_space<hbm>> -> memref<10000x128xf32, #tpu.memory_space<hbm>>
    tpu.enqueue_indirect_dma source(%dma_start3A_11 : memref<10000x128xf32, #tpu.memory_space<hbm>>) target(%arg6 : memref<128x128xf32, #tpu.memory_space<vmem>>) offsets(%dma_start3A_8 : memref<128xi32, #tpu.memory_space<vmem>>) semaphore(%arg11 : memref<!tpu.dma_semaphore, #tpu.memory_space<semaphore_mem>>)
    %scan3A = arith.constant 0 : i32
    %scan3A_12 = arith.constant 10 : i32
    %scan3A_13 = arith.addi %scan3A, %scan3A_12 : i32
    %scan3A_14 = arith.constant 1 : i32
    scf.for %scan3A_25 = %scan3A to %scan3A_13 step %scan3A_14  : i32 {
      %mul3A_26 = arith.constant 1 : i32
      %mul3A_27 = arith.muli %scan3A_25, %mul3A_26 : i32
      %add3A_28 = arith.constant 0 : i32
      %add3A_29 = arith.addi %add3A_28, %mul3A_27 : i32
      %jit3A = arith.constant 2 : i32
      %eq3A = arith.constant 0 : i32
      %eq3A_30 = arith.cmpi eq, %jit3A, %eq3A : i32
      %jit3A_31 = arith.constant 1 : i32
      %select_n3A = arith.select %eq3A_30, %jit3A_31, %jit3A : i32
      %rem3A = arith.remsi %add3A_29, %select_n3A : i32
      %ne3A = arith.constant 0 : i32
      %ne3A_32 = arith.cmpi ne, %rem3A, %ne3A : i32
      %lt3A = arith.constant 0 : i32
      %lt3A_33 = arith.cmpi slt, %rem3A, %lt3A : i32
      %lt3A_34 = arith.constant 0 : i32
      %lt3A_35 = arith.cmpi slt, %select_n3A, %lt3A_34 : i32
      %ne3A_36 = arith.xori %lt3A_33, %lt3A_35 : i1
      %and3A = arith.andi %ne3A_36, %ne3A_32 : i1
      %add3A_37 = arith.addi %rem3A, %select_n3A : i32
      %select_n3A_38 = arith.select %and3A, %add3A_37, %rem3A : i32
      %add3A_39 = arith.constant 1 : i32
      %add3A_40 = arith.addi %add3A_29, %add3A_39 : i32
      %jit3A_41 = arith.constant 2 : i32
      %eq3A_42 = arith.constant 0 : i32
      %eq3A_43 = arith.cmpi eq, %jit3A_41, %eq3A_42 : i32
      %jit3A_44 = arith.constant 1 : i32
      %select_n3A_45 = arith.select %eq3A_43, %jit3A_44, %jit3A_41 : i32
      %rem3A_46 = arith.remsi %add3A_40, %select_n3A_45 : i32
      %ne3A_47 = arith.constant 0 : i32
      %ne3A_48 = arith.cmpi ne, %rem3A_46, %ne3A_47 : i32
      %lt3A_49 = arith.constant 0 : i32
      %lt3A_50 = arith.cmpi slt, %rem3A_46, %lt3A_49 : i32
      %lt3A_51 = arith.constant 0 : i32
      %lt3A_52 = arith.cmpi slt, %select_n3A_45, %lt3A_51 : i32
      %ne3A_53 = arith.xori %lt3A_50, %lt3A_52 : i1
      %and3A_54 = arith.andi %ne3A_53, %ne3A_48 : i1
      %add3A_55 = arith.addi %rem3A_46, %select_n3A_45 : i32
      %select_n3A_56 = arith.select %and3A_54, %add3A_55, %rem3A_46 : i32
      %add3A_57 = arith.constant 1 : i32
      %add3A_58 = arith.addi %add3A_29, %add3A_57 : i32
      %min3A = arith.constant 9 : i32
      %min3A_59 = arith.minsi %add3A_58, %min3A : i32
      %dma_wait3A_60 = arith.constant 0 : i32
      %dma_wait3A_61 = arith.constant 0 : i32
      %dma_wait3A_62 = arith.constant 0 : i32
      %dma_wait3A_63 = tpu.memref_slice %arg8[%select_n3A_38, %dma_wait3A_60, %dma_wait3A_61, %dma_wait3A_62] : memref<2x2x8x128xi32, #tpu.memory_space<vmem>> -> memref<1x1x1x128xi32, #tpu.memory_space<vmem>>
      %dma_wait3A_64 = tpu.memref_squeeze %dma_wait3A_63 : memref<1x1x1x128xi32, #tpu.memory_space<vmem>> -> memref<128xi32, #tpu.memory_space<vmem>>
      %dma_wait3A_65 = arith.constant 0 : i32
      %dma_wait3A_66 = arith.constant 0 : i32
      %dma_wait3A_67 = tpu.memref_slice %arg2[%dma_wait3A_65, %dma_wait3A_66] : memref<10000x128xf32, #tpu.memory_space<hbm>> -> memref<10000x128xf32, #tpu.memory_space<hbm>>
      tpu.wait_indirect_dma semaphore(%arg11 : memref<!tpu.dma_semaphore, #tpu.memory_space<semaphore_mem>>) src(%dma_wait3A_67 : memref<10000x128xf32, #tpu.memory_space<hbm>>) dst(%arg6 : memref<128x128xf32, #tpu.memory_space<vmem>>)
      %dma_start3A_68 = arith.constant 1 : i32
      %dma_start3A_69 = arith.constant 0 : i32
      %dma_start3A_70 = arith.constant 0 : i32
      %dma_start3A_71 = tpu.memref_slice %arg8[%select_n3A_38, %dma_start3A_68, %dma_start3A_69, %dma_start3A_70] : memref<2x2x8x128xi32, #tpu.memory_space<vmem>> -> memref<1x1x1x128xi32, #tpu.memory_space<vmem>>
      %dma_start3A_72 = tpu.memref_squeeze %dma_start3A_71 : memref<1x1x1x128xi32, #tpu.memory_space<vmem>> -> memref<128xi32, #tpu.memory_space<vmem>>
      %dma_start3A_73 = arith.constant 0 : i32
      %dma_start3A_74 = arith.constant 0 : i32
      %dma_start3A_75 = tpu.memref_slice %arg9[%dma_start3A_73, %dma_start3A_74] : memref<10240x128xf32, #tpu.memory_space<vmem_shared>> -> memref<10240x128xf32, #tpu.memory_space<vmem_shared>>
      tpu.enqueue_indirect_dma source(%arg6 : memref<128x128xf32, #tpu.memory_space<vmem>>) target(%dma_start3A_75 : memref<10240x128xf32, #tpu.memory_space<vmem_shared>>) offsets(%dma_start3A_72 : memref<128xi32, #tpu.memory_space<vmem>>) semaphore(%arg13 : memref<!tpu.dma_semaphore, #tpu.memory_space<semaphore_mem>>) {add = true}
      %ge3A = arith.constant 1 : i32
      %ge3A_76 = arith.cmpi sge, %add3A_29, %ge3A : i32
      %convert_element_type3A = arith.extui %ge3A_76 : i1 to i32
      %cond3A = arith.constant 0 : i32
      %cond3A_77 = arith.cmpi ne, %convert_element_type3A, %cond3A : i32
      scf.if %cond3A_77 {
        %dma_wait3A_347 = arith.constant 1 : i32
        %dma_wait3A_348 = arith.constant 0 : i32
        %dma_wait3A_349 = arith.constant 0 : i32
        %dma_wait3A_350 = tpu.memref_slice %arg8[%select_n3A_38, %dma_wait3A_347, %dma_wait3A_348, %dma_wait3A_349] : memref<2x2x8x128xi32, #tpu.memory_space<vmem>> -> memref<1x1x1x128xi32, #tpu.memory_space<vmem>>
        %dma_wait3A_351 = tpu.memref_squeeze %dma_wait3A_350 : memref<1x1x1x128xi32, #tpu.memory_space<vmem>> -> memref<128xi32, #tpu.memory_space<vmem>>
        %dma_wait3A_352 = arith.constant 0 : i32
        %dma_wait3A_353 = arith.constant 0 : i32
        %dma_wait3A_354 = tpu.memref_slice %arg9[%dma_wait3A_352, %dma_wait3A_353] : memref<10240x128xf32, #tpu.memory_space<vmem_shared>> -> memref<10240x128xf32, #tpu.memory_space<vmem_shared>>
        tpu.wait_indirect_dma semaphore(%arg14 : memref<!tpu.dma_semaphore, #tpu.memory_space<semaphore_mem>>) src(%arg7 : memref<128x128xf32, #tpu.memory_space<vmem>>) dst(%dma_wait3A_354 : memref<10240x128xf32, #tpu.memory_space<vmem_shared>>)
      } else {
      }
      %dma_start3A_78 = arith.constant 0 : i32
      %dma_start3A_79 = arith.constant 1 : i32
      %dma_start3A_80 = arith.constant 0 : i32
      %dma_start3A_81 = tpu.memref_slice %arg8[%select_n3A_38, %dma_start3A_78, %dma_start3A_79, %dma_start3A_80] : memref<2x2x8x128xi32, #tpu.memory_space<vmem>> -> memref<1x1x1x128xi32, #tpu.memory_space<vmem>>
      %dma_start3A_82 = tpu.memref_squeeze %dma_start3A_81 : memref<1x1x1x128xi32, #tpu.memory_space<vmem>> -> memref<128xi32, #tpu.memory_space<vmem>>
      %dma_start3A_83 = arith.constant 0 : i32
      %dma_start3A_84 = arith.constant 0 : i32
      %dma_start3A_85 = tpu.memref_slice %arg2[%dma_start3A_83, %dma_start3A_84] : memref<10000x128xf32, #tpu.memory_space<hbm>> -> memref<10000x128xf32, #tpu.memory_space<hbm>>
      tpu.enqueue_indirect_dma source(%dma_start3A_85 : memref<10000x128xf32, #tpu.memory_space<hbm>>) target(%arg7 : memref<128x128xf32, #tpu.memory_space<vmem>>) offsets(%dma_start3A_82 : memref<128xi32, #tpu.memory_space<vmem>>) semaphore(%arg12 : memref<!tpu.dma_semaphore, #tpu.memory_space<semaphore_mem>>)
      %dma_wait3A_86 = arith.constant 0 : i32
      %dma_wait3A_87 = arith.constant 1 : i32
      %dma_wait3A_88 = arith.constant 0 : i32
      %dma_wait3A_89 = tpu.memref_slice %arg8[%select_n3A_38, %dma_wait3A_86, %dma_wait3A_87, %dma_wait3A_88] : memref<2x2x8x128xi32, #tpu.memory_space<vmem>> -> memref<1x1x1x128xi32, #tpu.memory_space<vmem>>
      %dma_wait3A_90 = tpu.memref_squeeze %dma_wait3A_89 : memref<1x1x1x128xi32, #tpu.memory_space<vmem>> -> memref<128xi32, #tpu.memory_space<vmem>>
      %dma_wait3A_91 = arith.constant 0 : i32
      %dma_wait3A_92 = arith.constant 0 : i32
      %dma_wait3A_93 = tpu.memref_slice %arg2[%dma_wait3A_91, %dma_wait3A_92] : memref<10000x128xf32, #tpu.memory_space<hbm>> -> memref<10000x128xf32, #tpu.memory_space<hbm>>
      tpu.wait_indirect_dma semaphore(%arg12 : memref<!tpu.dma_semaphore, #tpu.memory_space<semaphore_mem>>) src(%dma_wait3A_93 : memref<10000x128xf32, #tpu.memory_space<hbm>>) dst(%arg7 : memref<128x128xf32, #tpu.memory_space<vmem>>)
      %dma_start3A_94 = arith.constant 1 : i32
      %dma_start3A_95 = arith.constant 1 : i32
      %dma_start3A_96 = arith.constant 0 : i32
      %dma_start3A_97 = tpu.memref_slice %arg8[%select_n3A_38, %dma_start3A_94, %dma_start3A_95, %dma_start3A_96] : memref<2x2x8x128xi32, #tpu.memory_space<vmem>> -> memref<1x1x1x128xi32, #tpu.memory_space<vmem>>
      %dma_start3A_98 = tpu.memref_squeeze %dma_start3A_97 : memref<1x1x1x128xi32, #tpu.memory_space<vmem>> -> memref<128xi32, #tpu.memory_space<vmem>>
      %dma_start3A_99 = arith.constant 0 : i32
      %dma_start3A_100 = arith.constant 0 : i32
      %dma_start3A_101 = tpu.memref_slice %arg9[%dma_start3A_99, %dma_start3A_100] : memref<10240x128xf32, #tpu.memory_space<vmem_shared>> -> memref<10240x128xf32, #tpu.memory_space<vmem_shared>>
      tpu.enqueue_indirect_dma source(%arg7 : memref<128x128xf32, #tpu.memory_space<vmem>>) target(%dma_start3A_101 : memref<10240x128xf32, #tpu.memory_space<vmem_shared>>) offsets(%dma_start3A_98 : memref<128xi32, #tpu.memory_space<vmem>>) semaphore(%arg14 : memref<!tpu.dma_semaphore, #tpu.memory_space<semaphore_mem>>) {add = true}
      %dma_wait3A_102 = arith.constant 1 : i32
      %dma_wait3A_103 = arith.constant 0 : i32
      %dma_wait3A_104 = arith.constant 0 : i32
      %dma_wait3A_105 = tpu.memref_slice %arg8[%select_n3A_38, %dma_wait3A_102, %dma_wait3A_103, %dma_wait3A_104] : memref<2x2x8x128xi32, #tpu.memory_space<vmem>> -> memref<1x1x1x128xi32, #tpu.memory_space<vmem>>
      %dma_wait3A_106 = tpu.memref_squeeze %dma_wait3A_105 : memref<1x1x1x128xi32, #tpu.memory_space<vmem>> -> memref<128xi32, #tpu.memory_space<vmem>>
      %dma_wait3A_107 = arith.constant 0 : i32
      %dma_wait3A_108 = arith.constant 0 : i32
      %dma_wait3A_109 = tpu.memref_slice %arg9[%dma_wait3A_107, %dma_wait3A_108] : memref<10240x128xf32, #tpu.memory_space<vmem_shared>> -> memref<10240x128xf32, #tpu.memory_space<vmem_shared>>
      tpu.wait_indirect_dma semaphore(%arg13 : memref<!tpu.dma_semaphore, #tpu.memory_space<semaphore_mem>>) src(%arg6 : memref<128x128xf32, #tpu.memory_space<vmem>>) dst(%dma_wait3A_109 : memref<10240x128xf32, #tpu.memory_space<vmem_shared>>)
      %dma_start3A_110 = arith.constant 0 : i32
      %dma_start3A_111 = arith.constant 2 : i32
      %dma_start3A_112 = arith.constant 0 : i32
      %dma_start3A_113 = tpu.memref_slice %arg8[%select_n3A_38, %dma_start3A_110, %dma_start3A_111, %dma_start3A_112] : memref<2x2x8x128xi32, #tpu.memory_space<vmem>> -> memref<1x1x1x128xi32, #tpu.memory_space<vmem>>
      %dma_start3A_114 = tpu.memref_squeeze %dma_start3A_113 : memref<1x1x1x128xi32, #tpu.memory_space<vmem>> -> memref<128xi32, #tpu.memory_space<vmem>>
      %dma_start3A_115 = arith.constant 0 : i32
      %dma_start3A_116 = arith.constant 0 : i32
      %dma_start3A_117 = tpu.memref_slice %arg2[%dma_start3A_115, %dma_start3A_116] : memref<10000x128xf32, #tpu.memory_space<hbm>> -> memref<10000x128xf32, #tpu.memory_space<hbm>>
      tpu.enqueue_indirect_dma source(%dma_start3A_117 : memref<10000x128xf32, #tpu.memory_space<hbm>>) target(%arg6 : memref<128x128xf32, #tpu.memory_space<vmem>>) offsets(%dma_start3A_114 : memref<128xi32, #tpu.memory_space<vmem>>) semaphore(%arg11 : memref<!tpu.dma_semaphore, #tpu.memory_space<semaphore_mem>>)
      %dma_wait3A_118 = arith.constant 0 : i32
      %dma_wait3A_119 = arith.constant 2 : i32
      %dma_wait3A_120 = arith.constant 0 : i32
      %dma_wait3A_121 = tpu.memref_slice %arg8[%select_n3A_38, %dma_wait3A_118, %dma_wait3A_119, %dma_wait3A_120] : memref<2x2x8x128xi32, #tpu.memory_space<vmem>> -> memref<1x1x1x128xi32, #tpu.memory_space<vmem>>
      %dma_wait3A_122 = tpu.memref_squeeze %dma_wait3A_121 : memref<1x1x1x128xi32, #tpu.memory_space<vmem>> -> memref<128xi32, #tpu.memory_space<vmem>>
      %dma_wait3A_123 = arith.constant 0 : i32
      %dma_wait3A_124 = arith.constant 0 : i32
      %dma_wait3A_125 = tpu.memref_slice %arg2[%dma_wait3A_123, %dma_wait3A_124] : memref<10000x128xf32, #tpu.memory_space<hbm>> -> memref<10000x128xf32, #tpu.memory_space<hbm>>
      tpu.wait_indirect_dma semaphore(%arg11 : memref<!tpu.dma_semaphore, #tpu.memory_space<semaphore_mem>>) src(%dma_wait3A_125 : memref<10000x128xf32, #tpu.memory_space<hbm>>) dst(%arg6 : memref<128x128xf32, #tpu.memory_space<vmem>>)
      %dma_start3A_126 = arith.constant 1 : i32
      %dma_start3A_127 = arith.constant 2 : i32
      %dma_start3A_128 = arith.constant 0 : i32
      %dma_start3A_129 = tpu.memref_slice %arg8[%select_n3A_38, %dma_start3A_126, %dma_start3A_127, %dma_start3A_128] : memref<2x2x8x128xi32, #tpu.memory_space<vmem>> -> memref<1x1x1x128xi32, #tpu.memory_space<vmem>>
      %dma_start3A_130 = tpu.memref_squeeze %dma_start3A_129 : memref<1x1x1x128xi32, #tpu.memory_space<vmem>> -> memref<128xi32, #tpu.memory_space<vmem>>
      %dma_start3A_131 = arith.constant 0 : i32
      %dma_start3A_132 = arith.constant 0 : i32
      %dma_start3A_133 = tpu.memref_slice %arg9[%dma_start3A_131, %dma_start3A_132] : memref<10240x128xf32, #tpu.memory_space<vmem_shared>> -> memref<10240x128xf32, #tpu.memory_space<vmem_shared>>
      tpu.enqueue_indirect_dma source(%arg6 : memref<128x128xf32, #tpu.memory_space<vmem>>) target(%dma_start3A_133 : memref<10240x128xf32, #tpu.memory_space<vmem_shared>>) offsets(%dma_start3A_130 : memref<128xi32, #tpu.memory_space<vmem>>) semaphore(%arg13 : memref<!tpu.dma_semaphore, #tpu.memory_space<semaphore_mem>>) {add = true}
      %dma_wait3A_134 = arith.constant 1 : i32
      %dma_wait3A_135 = arith.constant 0 : i32
      %dma_wait3A_136 = arith.constant 0 : i32
      %dma_wait3A_137 = tpu.memref_slice %arg8[%select_n3A_38, %dma_wait3A_134, %dma_wait3A_135, %dma_wait3A_136] : memref<2x2x8x128xi32, #tpu.memory_space<vmem>> -> memref<1x1x1x128xi32, #tpu.memory_space<vmem>>
      %dma_wait3A_138 = tpu.memref_squeeze %dma_wait3A_137 : memref<1x1x1x128xi32, #tpu.memory_space<vmem>> -> memref<128xi32, #tpu.memory_space<vmem>>
      %dma_wait3A_139 = arith.constant 0 : i32
      %dma_wait3A_140 = arith.constant 0 : i32
      %dma_wait3A_141 = tpu.memref_slice %arg9[%dma_wait3A_139, %dma_wait3A_140] : memref<10240x128xf32, #tpu.memory_space<vmem_shared>> -> memref<10240x128xf32, #tpu.memory_space<vmem_shared>>
      tpu.wait_indirect_dma semaphore(%arg14 : memref<!tpu.dma_semaphore, #tpu.memory_space<semaphore_mem>>) src(%arg7 : memref<128x128xf32, #tpu.memory_space<vmem>>) dst(%dma_wait3A_141 : memref<10240x128xf32, #tpu.memory_space<vmem_shared>>)
      %dma_start3A_142 = arith.constant 0 : i32
      %dma_start3A_143 = arith.constant 0 : i32
      %dma_start3A_144 = arith.constant 0 : i32
      %dma_start3A_145 = tpu.memref_slice %arg8[%select_n3A_56, %dma_start3A_142, %dma_start3A_143, %dma_start3A_144] : memref<2x2x8x128xi32, #tpu.memory_space<vmem>> -> memref<1x2x8x128xi32, #tpu.memory_space<vmem>>
      %dma_start3A_146 = tpu.memref_squeeze %dma_start3A_145 : memref<1x2x8x128xi32, #tpu.memory_space<vmem>> -> memref<2x8x128xi32, #tpu.memory_space<vmem>>
      %dma_start3A_147 = arith.constant 0 : i32
      %dma_start3A_148 = arith.constant 0 : i32
      %dma_start3A_149 = arith.constant 0 : i32
      %dma_start3A_150 = tpu.memref_slice %arg4[%arg0, %arg1, %min3A_59, %dma_start3A_147, %dma_start3A_148, %dma_start3A_149] : memref<2x16x10x2x8x128xi32, #tpu.memory_space<hbm>> -> memref<1x1x1x2x8x128xi32, #tpu.memory_space<hbm>>
      %dma_start3A_151 = tpu.memref_squeeze %dma_start3A_150 : memref<1x1x1x2x8x128xi32, #tpu.memory_space<hbm>> -> memref<2x8x128xi32, #tpu.memory_space<hbm>>
      %dma_start3A_152 = arith.constant 0 : i32
      %dma_start3A_153 = arith.constant 0 : i32
      %dma_start3A_154 = arith.constant 0 : i32
      %dma_start3A_155 = tpu.memref_slice %arg8[%select_n3A_56, %dma_start3A_152, %dma_start3A_153, %dma_start3A_154] : memref<2x2x8x128xi32, #tpu.memory_space<vmem>> -> memref<1x2x8x128xi32, #tpu.memory_space<vmem>>
      %dma_start3A_156 = tpu.memref_squeeze %dma_start3A_155 : memref<1x2x8x128xi32, #tpu.memory_space<vmem>> -> memref<2x8x128xi32, #tpu.memory_space<vmem>>
      %dma_start3A_157 = arith.constant 0 : i32
      %dma_start3A_158 = arith.constant 0 : i32
      %dma_start3A_159 = arith.constant 0 : i32
      %dma_start3A_160 = tpu.memref_slice %arg4[%arg0, %arg1, %min3A_59, %dma_start3A_157, %dma_start3A_158, %dma_start3A_159] : memref<2x16x10x2x8x128xi32, #tpu.memory_space<hbm>> -> memref<1x1x1x2x8x128xi32, #tpu.memory_space<hbm>>
      %dma_start3A_161 = tpu.memref_squeeze %dma_start3A_160 : memref<1x1x1x2x8x128xi32, #tpu.memory_space<hbm>> -> memref<2x8x128xi32, #tpu.memory_space<hbm>>
      tpu.enqueue_dma source(%dma_start3A_161 : memref<2x8x128xi32, #tpu.memory_space<hbm>>) target(%dma_start3A_156 : memref<2x8x128xi32, #tpu.memory_space<vmem>>) target_semaphore(%arg10 : memref<!tpu.dma_semaphore, #tpu.memory_space<semaphore_mem>>)
      %dma_start3A_162 = arith.constant 0 : i32
      %dma_start3A_163 = arith.constant 3 : i32
      %dma_start3A_164 = arith.constant 0 : i32
      %dma_start3A_165 = tpu.memref_slice %arg8[%select_n3A_38, %dma_start3A_162, %dma_start3A_163, %dma_start3A_164] : memref<2x2x8x128xi32, #tpu.memory_space<vmem>> -> memref<1x1x1x128xi32, #tpu.memory_space<vmem>>
      %dma_start3A_166 = tpu.memref_squeeze %dma_start3A_165 : memref<1x1x1x128xi32, #tpu.memory_space<vmem>> -> memref<128xi32, #tpu.memory_space<vmem>>
      %dma_start3A_167 = arith.constant 0 : i32
      %dma_start3A_168 = arith.constant 0 : i32
      %dma_start3A_169 = tpu.memref_slice %arg2[%dma_start3A_167, %dma_start3A_168] : memref<10000x128xf32, #tpu.memory_space<hbm>> -> memref<10000x128xf32, #tpu.memory_space<hbm>>
      tpu.enqueue_indirect_dma source(%dma_start3A_169 : memref<10000x128xf32, #tpu.memory_space<hbm>>) target(%arg7 : memref<128x128xf32, #tpu.memory_space<vmem>>) offsets(%dma_start3A_166 : memref<128xi32, #tpu.memory_space<vmem>>) semaphore(%arg12 : memref<!tpu.dma_semaphore, #tpu.memory_space<semaphore_mem>>)
      %dma_wait3A_170 = arith.constant 0 : i32
      %dma_wait3A_171 = arith.constant 3 : i32
      %dma_wait3A_172 = arith.constant 0 : i32
      %dma_wait3A_173 = tpu.memref_slice %arg8[%select_n3A_38, %dma_wait3A_170, %dma_wait3A_171, %dma_wait3A_172] : memref<2x2x8x128xi32, #tpu.memory_space<vmem>> -> memref<1x1x1x128xi32, #tpu.memory_space<vmem>>
      %dma_wait3A_174 = tpu.memref_squeeze %dma_wait3A_173 : memref<1x1x1x128xi32, #tpu.memory_space<vmem>> -> memref<128xi32, #tpu.memory_space<vmem>>
      %dma_wait3A_175 = arith.constant 0 : i32
      %dma_wait3A_176 = arith.constant 0 : i32
      %dma_wait3A_177 = tpu.memref_slice %arg2[%dma_wait3A_175, %dma_wait3A_176] : memref<10000x128xf32, #tpu.memory_space<hbm>> -> memref<10000x128xf32, #tpu.memory_space<hbm>>
      tpu.wait_indirect_dma semaphore(%arg12 : memref<!tpu.dma_semaphore, #tpu.memory_space<semaphore_mem>>) src(%dma_wait3A_177 : memref<10000x128xf32, #tpu.memory_space<hbm>>) dst(%arg7 : memref<128x128xf32, #tpu.memory_space<vmem>>)
      %dma_start3A_178 = arith.constant 1 : i32
      %dma_start3A_179 = arith.constant 3 : i32
      %dma_start3A_180 = arith.constant 0 : i32
      %dma_start3A_181 = tpu.memref_slice %arg8[%select_n3A_38, %dma_start3A_178, %dma_start3A_179, %dma_start3A_180] : memref<2x2x8x128xi32, #tpu.memory_space<vmem>> -> memref<1x1x1x128xi32, #tpu.memory_space<vmem>>
      %dma_start3A_182 = tpu.memref_squeeze %dma_start3A_181 : memref<1x1x1x128xi32, #tpu.memory_space<vmem>> -> memref<128xi32, #tpu.memory_space<vmem>>
      %dma_start3A_183 = arith.constant 0 : i32
      %dma_start3A_184 = arith.constant 0 : i32
      %dma_start3A_185 = tpu.memref_slice %arg9[%dma_start3A_183, %dma_start3A_184] : memref<10240x128xf32, #tpu.memory_space<vmem_shared>> -> memref<10240x128xf32, #tpu.memory_space<vmem_shared>>
      tpu.enqueue_indirect_dma source(%arg7 : memref<128x128xf32, #tpu.memory_space<vmem>>) target(%dma_start3A_185 : memref<10240x128xf32, #tpu.memory_space<vmem_shared>>) offsets(%dma_start3A_182 : memref<128xi32, #tpu.memory_space<vmem>>) semaphore(%arg14 : memref<!tpu.dma_semaphore, #tpu.memory_space<semaphore_mem>>) {add = true}
      %dma_wait3A_186 = arith.constant 1 : i32
      %dma_wait3A_187 = arith.constant 0 : i32
      %dma_wait3A_188 = arith.constant 0 : i32
      %dma_wait3A_189 = tpu.memref_slice %arg8[%select_n3A_38, %dma_wait3A_186, %dma_wait3A_187, %dma_wait3A_188] : memref<2x2x8x128xi32, #tpu.memory_space<vmem>> -> memref<1x1x1x128xi32, #tpu.memory_space<vmem>>
      %dma_wait3A_190 = tpu.memref_squeeze %dma_wait3A_189 : memref<1x1x1x128xi32, #tpu.memory_space<vmem>> -> memref<128xi32, #tpu.memory_space<vmem>>
      %dma_wait3A_191 = arith.constant 0 : i32
      %dma_wait3A_192 = arith.constant 0 : i32
      %dma_wait3A_193 = tpu.memref_slice %arg9[%dma_wait3A_191, %dma_wait3A_192] : memref<10240x128xf32, #tpu.memory_space<vmem_shared>> -> memref<10240x128xf32, #tpu.memory_space<vmem_shared>>
      tpu.wait_indirect_dma semaphore(%arg13 : memref<!tpu.dma_semaphore, #tpu.memory_space<semaphore_mem>>) src(%arg6 : memref<128x128xf32, #tpu.memory_space<vmem>>) dst(%dma_wait3A_193 : memref<10240x128xf32, #tpu.memory_space<vmem_shared>>)
      %dma_start3A_194 = arith.constant 0 : i32
      %dma_start3A_195 = arith.constant 4 : i32
      %dma_start3A_196 = arith.constant 0 : i32
      %dma_start3A_197 = tpu.memref_slice %arg8[%select_n3A_38, %dma_start3A_194, %dma_start3A_195, %dma_start3A_196] : memref<2x2x8x128xi32, #tpu.memory_space<vmem>> -> memref<1x1x1x128xi32, #tpu.memory_space<vmem>>
      %dma_start3A_198 = tpu.memref_squeeze %dma_start3A_197 : memref<1x1x1x128xi32, #tpu.memory_space<vmem>> -> memref<128xi32, #tpu.memory_space<vmem>>
      %dma_start3A_199 = arith.constant 0 : i32
      %dma_start3A_200 = arith.constant 0 : i32
      %dma_start3A_201 = tpu.memref_slice %arg2[%dma_start3A_199, %dma_start3A_200] : memref<10000x128xf32, #tpu.memory_space<hbm>> -> memref<10000x128xf32, #tpu.memory_space<hbm>>
      tpu.enqueue_indirect_dma source(%dma_start3A_201 : memref<10000x128xf32, #tpu.memory_space<hbm>>) target(%arg6 : memref<128x128xf32, #tpu.memory_space<vmem>>) offsets(%dma_start3A_198 : memref<128xi32, #tpu.memory_space<vmem>>) semaphore(%arg11 : memref<!tpu.dma_semaphore, #tpu.memory_space<semaphore_mem>>)
      %dma_wait3A_202 = arith.constant 0 : i32
      %dma_wait3A_203 = arith.constant 4 : i32
      %dma_wait3A_204 = arith.constant 0 : i32
      %dma_wait3A_205 = tpu.memref_slice %arg8[%select_n3A_38, %dma_wait3A_202, %dma_wait3A_203, %dma_wait3A_204] : memref<2x2x8x128xi32, #tpu.memory_space<vmem>> -> memref<1x1x1x128xi32, #tpu.memory_space<vmem>>
      %dma_wait3A_206 = tpu.memref_squeeze %dma_wait3A_205 : memref<1x1x1x128xi32, #tpu.memory_space<vmem>> -> memref<128xi32, #tpu.memory_space<vmem>>
      %dma_wait3A_207 = arith.constant 0 : i32
      %dma_wait3A_208 = arith.constant 0 : i32
      %dma_wait3A_209 = tpu.memref_slice %arg2[%dma_wait3A_207, %dma_wait3A_208] : memref<10000x128xf32, #tpu.memory_space<hbm>> -> memref<10000x128xf32, #tpu.memory_space<hbm>>
      tpu.wait_indirect_dma semaphore(%arg11 : memref<!tpu.dma_semaphore, #tpu.memory_space<semaphore_mem>>) src(%dma_wait3A_209 : memref<10000x128xf32, #tpu.memory_space<hbm>>) dst(%arg6 : memref<128x128xf32, #tpu.memory_space<vmem>>)
      %dma_start3A_210 = arith.constant 1 : i32
      %dma_start3A_211 = arith.constant 4 : i32
      %dma_start3A_212 = arith.constant 0 : i32
      %dma_start3A_213 = tpu.memref_slice %arg8[%select_n3A_38, %dma_start3A_210, %dma_start3A_211, %dma_start3A_212] : memref<2x2x8x128xi32, #tpu.memory_space<vmem>> -> memref<1x1x1x128xi32, #tpu.memory_space<vmem>>
      %dma_start3A_214 = tpu.memref_squeeze %dma_start3A_213 : memref<1x1x1x128xi32, #tpu.memory_space<vmem>> -> memref<128xi32, #tpu.memory_space<vmem>>
      %dma_start3A_215 = arith.constant 0 : i32
      %dma_start3A_216 = arith.constant 0 : i32
      %dma_start3A_217 = tpu.memref_slice %arg9[%dma_start3A_215, %dma_start3A_216] : memref<10240x128xf32, #tpu.memory_space<vmem_shared>> -> memref<10240x128xf32, #tpu.memory_space<vmem_shared>>
      tpu.enqueue_indirect_dma source(%arg6 : memref<128x128xf32, #tpu.memory_space<vmem>>) target(%dma_start3A_217 : memref<10240x128xf32, #tpu.memory_space<vmem_shared>>) offsets(%dma_start3A_214 : memref<128xi32, #tpu.memory_space<vmem>>) semaphore(%arg13 : memref<!tpu.dma_semaphore, #tpu.memory_space<semaphore_mem>>) {add = true}
      %dma_wait3A_218 = arith.constant 1 : i32
      %dma_wait3A_219 = arith.constant 0 : i32
      %dma_wait3A_220 = arith.constant 0 : i32
      %dma_wait3A_221 = tpu.memref_slice %arg8[%select_n3A_38, %dma_wait3A_218, %dma_wait3A_219, %dma_wait3A_220] : memref<2x2x8x128xi32, #tpu.memory_space<vmem>> -> memref<1x1x1x128xi32, #tpu.memory_space<vmem>>
      %dma_wait3A_222 = tpu.memref_squeeze %dma_wait3A_221 : memref<1x1x1x128xi32, #tpu.memory_space<vmem>> -> memref<128xi32, #tpu.memory_space<vmem>>
      %dma_wait3A_223 = arith.constant 0 : i32
      %dma_wait3A_224 = arith.constant 0 : i32
      %dma_wait3A_225 = tpu.memref_slice %arg9[%dma_wait3A_223, %dma_wait3A_224] : memref<10240x128xf32, #tpu.memory_space<vmem_shared>> -> memref<10240x128xf32, #tpu.memory_space<vmem_shared>>
      tpu.wait_indirect_dma semaphore(%arg14 : memref<!tpu.dma_semaphore, #tpu.memory_space<semaphore_mem>>) src(%arg7 : memref<128x128xf32, #tpu.memory_space<vmem>>) dst(%dma_wait3A_225 : memref<10240x128xf32, #tpu.memory_space<vmem_shared>>)
      %dma_start3A_226 = arith.constant 0 : i32
      %dma_start3A_227 = arith.constant 5 : i32
      %dma_start3A_228 = arith.constant 0 : i32
      %dma_start3A_229 = tpu.memref_slice %arg8[%select_n3A_38, %dma_start3A_226, %dma_start3A_227, %dma_start3A_228] : memref<2x2x8x128xi32, #tpu.memory_space<vmem>> -> memref<1x1x1x128xi32, #tpu.memory_space<vmem>>
      %dma_start3A_230 = tpu.memref_squeeze %dma_start3A_229 : memref<1x1x1x128xi32, #tpu.memory_space<vmem>> -> memref<128xi32, #tpu.memory_space<vmem>>
      %dma_start3A_231 = arith.constant 0 : i32
      %dma_start3A_232 = arith.constant 0 : i32
      %dma_start3A_233 = tpu.memref_slice %arg2[%dma_start3A_231, %dma_start3A_232] : memref<10000x128xf32, #tpu.memory_space<hbm>> -> memref<10000x128xf32, #tpu.memory_space<hbm>>
      tpu.enqueue_indirect_dma source(%dma_start3A_233 : memref<10000x128xf32, #tpu.memory_space<hbm>>) target(%arg7 : memref<128x128xf32, #tpu.memory_space<vmem>>) offsets(%dma_start3A_230 : memref<128xi32, #tpu.memory_space<vmem>>) semaphore(%arg12 : memref<!tpu.dma_semaphore, #tpu.memory_space<semaphore_mem>>)
      %dma_wait3A_234 = arith.constant 0 : i32
      %dma_wait3A_235 = arith.constant 5 : i32
      %dma_wait3A_236 = arith.constant 0 : i32
      %dma_wait3A_237 = tpu.memref_slice %arg8[%select_n3A_38, %dma_wait3A_234, %dma_wait3A_235, %dma_wait3A_236] : memref<2x2x8x128xi32, #tpu.memory_space<vmem>> -> memref<1x1x1x128xi32, #tpu.memory_space<vmem>>
      %dma_wait3A_238 = tpu.memref_squeeze %dma_wait3A_237 : memref<1x1x1x128xi32, #tpu.memory_space<vmem>> -> memref<128xi32, #tpu.memory_space<vmem>>
      %dma_wait3A_239 = arith.constant 0 : i32
      %dma_wait3A_240 = arith.constant 0 : i32
      %dma_wait3A_241 = tpu.memref_slice %arg2[%dma_wait3A_239, %dma_wait3A_240] : memref<10000x128xf32, #tpu.memory_space<hbm>> -> memref<10000x128xf32, #tpu.memory_space<hbm>>
      tpu.wait_indirect_dma semaphore(%arg12 : memref<!tpu.dma_semaphore, #tpu.memory_space<semaphore_mem>>) src(%dma_wait3A_241 : memref<10000x128xf32, #tpu.memory_space<hbm>>) dst(%arg7 : memref<128x128xf32, #tpu.memory_space<vmem>>)
      %dma_start3A_242 = arith.constant 1 : i32
      %dma_start3A_243 = arith.constant 5 : i32
      %dma_start3A_244 = arith.constant 0 : i32
      %dma_start3A_245 = tpu.memref_slice %arg8[%select_n3A_38, %dma_start3A_242, %dma_start3A_243, %dma_start3A_244] : memref<2x2x8x128xi32, #tpu.memory_space<vmem>> -> memref<1x1x1x128xi32, #tpu.memory_space<vmem>>
      %dma_start3A_246 = tpu.memref_squeeze %dma_start3A_245 : memref<1x1x1x128xi32, #tpu.memory_space<vmem>> -> memref<128xi32, #tpu.memory_space<vmem>>
      %dma_start3A_247 = arith.constant 0 : i32
      %dma_start3A_248 = arith.constant 0 : i32
      %dma_start3A_249 = tpu.memref_slice %arg9[%dma_start3A_247, %dma_start3A_248] : memref<10240x128xf32, #tpu.memory_space<vmem_shared>> -> memref<10240x128xf32, #tpu.memory_space<vmem_shared>>
      tpu.enqueue_indirect_dma source(%arg7 : memref<128x128xf32, #tpu.memory_space<vmem>>) target(%dma_start3A_249 : memref<10240x128xf32, #tpu.memory_space<vmem_shared>>) offsets(%dma_start3A_246 : memref<128xi32, #tpu.memory_space<vmem>>) semaphore(%arg14 : memref<!tpu.dma_semaphore, #tpu.memory_space<semaphore_mem>>) {add = true}
      %dma_wait3A_250 = arith.constant 1 : i32
      %dma_wait3A_251 = arith.constant 0 : i32
      %dma_wait3A_252 = arith.constant 0 : i32
      %dma_wait3A_253 = tpu.memref_slice %arg8[%select_n3A_38, %dma_wait3A_250, %dma_wait3A_251, %dma_wait3A_252] : memref<2x2x8x128xi32, #tpu.memory_space<vmem>> -> memref<1x1x1x128xi32, #tpu.memory_space<vmem>>
      %dma_wait3A_254 = tpu.memref_squeeze %dma_wait3A_253 : memref<1x1x1x128xi32, #tpu.memory_space<vmem>> -> memref<128xi32, #tpu.memory_space<vmem>>
      %dma_wait3A_255 = arith.constant 0 : i32
      %dma_wait3A_256 = arith.constant 0 : i32
      %dma_wait3A_257 = tpu.memref_slice %arg9[%dma_wait3A_255, %dma_wait3A_256] : memref<10240x128xf32, #tpu.memory_space<vmem_shared>> -> memref<10240x128xf32, #tpu.memory_space<vmem_shared>>
      tpu.wait_indirect_dma semaphore(%arg13 : memref<!tpu.dma_semaphore, #tpu.memory_space<semaphore_mem>>) src(%arg6 : memref<128x128xf32, #tpu.memory_space<vmem>>) dst(%dma_wait3A_257 : memref<10240x128xf32, #tpu.memory_space<vmem_shared>>)
      %dma_wait3A_258 = arith.constant 0 : i32
      %dma_wait3A_259 = arith.constant 0 : i32
      %dma_wait3A_260 = arith.constant 0 : i32
      %dma_wait3A_261 = tpu.memref_slice %arg8[%select_n3A_56, %dma_wait3A_258, %dma_wait3A_259, %dma_wait3A_260] : memref<2x2x8x128xi32, #tpu.memory_space<vmem>> -> memref<1x2x8x128xi32, #tpu.memory_space<vmem>>
      %dma_wait3A_262 = tpu.memref_squeeze %dma_wait3A_261 : memref<1x2x8x128xi32, #tpu.memory_space<vmem>> -> memref<2x8x128xi32, #tpu.memory_space<vmem>>
      %dma_wait3A_263 = arith.constant 0 : i32
      %dma_wait3A_264 = arith.constant 0 : i32
      %dma_wait3A_265 = arith.constant 0 : i32
      %dma_wait3A_266 = tpu.memref_slice %arg4[%arg0, %arg1, %min3A_59, %dma_wait3A_263, %dma_wait3A_264, %dma_wait3A_265] : memref<2x16x10x2x8x128xi32, #tpu.memory_space<hbm>> -> memref<1x1x1x2x8x128xi32, #tpu.memory_space<hbm>>
      %dma_wait3A_267 = tpu.memref_squeeze %dma_wait3A_266 : memref<1x1x1x2x8x128xi32, #tpu.memory_space<hbm>> -> memref<2x8x128xi32, #tpu.memory_space<hbm>>
      %dma_wait3A_268 = arith.constant 0 : i32
      %dma_wait3A_269 = arith.constant 0 : i32
      %dma_wait3A_270 = arith.constant 0 : i32
      %dma_wait3A_271 = tpu.memref_slice %arg8[%select_n3A_56, %dma_wait3A_268, %dma_wait3A_269, %dma_wait3A_270] : memref<2x2x8x128xi32, #tpu.memory_space<vmem>> -> memref<1x2x8x128xi32, #tpu.memory_space<vmem>>
      %dma_wait3A_272 = tpu.memref_squeeze %dma_wait3A_271 : memref<1x2x8x128xi32, #tpu.memory_space<vmem>> -> memref<2x8x128xi32, #tpu.memory_space<vmem>>
      %dma_wait3A_273 = arith.constant 0 : i32
      %dma_wait3A_274 = arith.constant 0 : i32
      %dma_wait3A_275 = arith.constant 0 : i32
      %dma_wait3A_276 = tpu.memref_slice %arg4[%arg0, %arg1, %min3A_59, %dma_wait3A_273, %dma_wait3A_274, %dma_wait3A_275] : memref<2x16x10x2x8x128xi32, #tpu.memory_space<hbm>> -> memref<1x1x1x2x8x128xi32, #tpu.memory_space<hbm>>
      %dma_wait3A_277 = tpu.memref_squeeze %dma_wait3A_276 : memref<1x1x1x2x8x128xi32, #tpu.memory_space<hbm>> -> memref<2x8x128xi32, #tpu.memory_space<hbm>>
      tpu.wait_dma2 semaphore(%arg10 : memref<!tpu.dma_semaphore, #tpu.memory_space<semaphore_mem>>) src(%dma_wait3A_277 : memref<2x8x128xi32, #tpu.memory_space<hbm>>) dst(%dma_wait3A_272 : memref<2x8x128xi32, #tpu.memory_space<vmem>>)
      %dma_start3A_278 = arith.constant 0 : i32
      %dma_start3A_279 = arith.constant 6 : i32
      %dma_start3A_280 = arith.constant 0 : i32
      %dma_start3A_281 = tpu.memref_slice %arg8[%select_n3A_38, %dma_start3A_278, %dma_start3A_279, %dma_start3A_280] : memref<2x2x8x128xi32, #tpu.memory_space<vmem>> -> memref<1x1x1x128xi32, #tpu.memory_space<vmem>>
      %dma_start3A_282 = tpu.memref_squeeze %dma_start3A_281 : memref<1x1x1x128xi32, #tpu.memory_space<vmem>> -> memref<128xi32, #tpu.memory_space<vmem>>
      %dma_start3A_283 = arith.constant 0 : i32
      %dma_start3A_284 = arith.constant 0 : i32
      %dma_start3A_285 = tpu.memref_slice %arg2[%dma_start3A_283, %dma_start3A_284] : memref<10000x128xf32, #tpu.memory_space<hbm>> -> memref<10000x128xf32, #tpu.memory_space<hbm>>
      tpu.enqueue_indirect_dma source(%dma_start3A_285 : memref<10000x128xf32, #tpu.memory_space<hbm>>) target(%arg6 : memref<128x128xf32, #tpu.memory_space<vmem>>) offsets(%dma_start3A_282 : memref<128xi32, #tpu.memory_space<vmem>>) semaphore(%arg11 : memref<!tpu.dma_semaphore, #tpu.memory_space<semaphore_mem>>)
      %dma_wait3A_286 = arith.constant 0 : i32
      %dma_wait3A_287 = arith.constant 6 : i32
      %dma_wait3A_288 = arith.constant 0 : i32
      %dma_wait3A_289 = tpu.memref_slice %arg8[%select_n3A_38, %dma_wait3A_286, %dma_wait3A_287, %dma_wait3A_288] : memref<2x2x8x128xi32, #tpu.memory_space<vmem>> -> memref<1x1x1x128xi32, #tpu.memory_space<vmem>>
      %dma_wait3A_290 = tpu.memref_squeeze %dma_wait3A_289 : memref<1x1x1x128xi32, #tpu.memory_space<vmem>> -> memref<128xi32, #tpu.memory_space<vmem>>
      %dma_wait3A_291 = arith.constant 0 : i32
      %dma_wait3A_292 = arith.constant 0 : i32
      %dma_wait3A_293 = tpu.memref_slice %arg2[%dma_wait3A_291, %dma_wait3A_292] : memref<10000x128xf32, #tpu.memory_space<hbm>> -> memref<10000x128xf32, #tpu.memory_space<hbm>>
      tpu.wait_indirect_dma semaphore(%arg11 : memref<!tpu.dma_semaphore, #tpu.memory_space<semaphore_mem>>) src(%dma_wait3A_293 : memref<10000x128xf32, #tpu.memory_space<hbm>>) dst(%arg6 : memref<128x128xf32, #tpu.memory_space<vmem>>)
      %dma_start3A_294 = arith.constant 1 : i32
      %dma_start3A_295 = arith.constant 6 : i32
      %dma_start3A_296 = arith.constant 0 : i32
      %dma_start3A_297 = tpu.memref_slice %arg8[%select_n3A_38, %dma_start3A_294, %dma_start3A_295, %dma_start3A_296] : memref<2x2x8x128xi32, #tpu.memory_space<vmem>> -> memref<1x1x1x128xi32, #tpu.memory_space<vmem>>
      %dma_start3A_298 = tpu.memref_squeeze %dma_start3A_297 : memref<1x1x1x128xi32, #tpu.memory_space<vmem>> -> memref<128xi32, #tpu.memory_space<vmem>>
      %dma_start3A_299 = arith.constant 0 : i32
      %dma_start3A_300 = arith.constant 0 : i32
      %dma_start3A_301 = tpu.memref_slice %arg9[%dma_start3A_299, %dma_start3A_300] : memref<10240x128xf32, #tpu.memory_space<vmem_shared>> -> memref<10240x128xf32, #tpu.memory_space<vmem_shared>>
      tpu.enqueue_indirect_dma source(%arg6 : memref<128x128xf32, #tpu.memory_space<vmem>>) target(%dma_start3A_301 : memref<10240x128xf32, #tpu.memory_space<vmem_shared>>) offsets(%dma_start3A_298 : memref<128xi32, #tpu.memory_space<vmem>>) semaphore(%arg13 : memref<!tpu.dma_semaphore, #tpu.memory_space<semaphore_mem>>) {add = true}
      %dma_wait3A_302 = arith.constant 1 : i32
      %dma_wait3A_303 = arith.constant 0 : i32
      %dma_wait3A_304 = arith.constant 0 : i32
      %dma_wait3A_305 = tpu.memref_slice %arg8[%select_n3A_38, %dma_wait3A_302, %dma_wait3A_303, %dma_wait3A_304] : memref<2x2x8x128xi32, #tpu.memory_space<vmem>> -> memref<1x1x1x128xi32, #tpu.memory_space<vmem>>
      %dma_wait3A_306 = tpu.memref_squeeze %dma_wait3A_305 : memref<1x1x1x128xi32, #tpu.memory_space<vmem>> -> memref<128xi32, #tpu.memory_space<vmem>>
      %dma_wait3A_307 = arith.constant 0 : i32
      %dma_wait3A_308 = arith.constant 0 : i32
      %dma_wait3A_309 = tpu.memref_slice %arg9[%dma_wait3A_307, %dma_wait3A_308] : memref<10240x128xf32, #tpu.memory_space<vmem_shared>> -> memref<10240x128xf32, #tpu.memory_space<vmem_shared>>
      tpu.wait_indirect_dma semaphore(%arg14 : memref<!tpu.dma_semaphore, #tpu.memory_space<semaphore_mem>>) src(%arg7 : memref<128x128xf32, #tpu.memory_space<vmem>>) dst(%dma_wait3A_309 : memref<10240x128xf32, #tpu.memory_space<vmem_shared>>)
      %dma_start3A_310 = arith.constant 0 : i32
      %dma_start3A_311 = arith.constant 7 : i32
      %dma_start3A_312 = arith.constant 0 : i32
      %dma_start3A_313 = tpu.memref_slice %arg8[%select_n3A_38, %dma_start3A_310, %dma_start3A_311, %dma_start3A_312] : memref<2x2x8x128xi32, #tpu.memory_space<vmem>> -> memref<1x1x1x128xi32, #tpu.memory_space<vmem>>
      %dma_start3A_314 = tpu.memref_squeeze %dma_start3A_313 : memref<1x1x1x128xi32, #tpu.memory_space<vmem>> -> memref<128xi32, #tpu.memory_space<vmem>>
      %dma_start3A_315 = arith.constant 0 : i32
      %dma_start3A_316 = arith.constant 0 : i32
      %dma_start3A_317 = tpu.memref_slice %arg2[%dma_start3A_315, %dma_start3A_316] : memref<10000x128xf32, #tpu.memory_space<hbm>> -> memref<10000x128xf32, #tpu.memory_space<hbm>>
      tpu.enqueue_indirect_dma source(%dma_start3A_317 : memref<10000x128xf32, #tpu.memory_space<hbm>>) target(%arg7 : memref<128x128xf32, #tpu.memory_space<vmem>>) offsets(%dma_start3A_314 : memref<128xi32, #tpu.memory_space<vmem>>) semaphore(%arg12 : memref<!tpu.dma_semaphore, #tpu.memory_space<semaphore_mem>>)
      %dma_wait3A_318 = arith.constant 0 : i32
      %dma_wait3A_319 = arith.constant 7 : i32
      %dma_wait3A_320 = arith.constant 0 : i32
      %dma_wait3A_321 = tpu.memref_slice %arg8[%select_n3A_38, %dma_wait3A_318, %dma_wait3A_319, %dma_wait3A_320] : memref<2x2x8x128xi32, #tpu.memory_space<vmem>> -> memref<1x1x1x128xi32, #tpu.memory_space<vmem>>
      %dma_wait3A_322 = tpu.memref_squeeze %dma_wait3A_321 : memref<1x1x1x128xi32, #tpu.memory_space<vmem>> -> memref<128xi32, #tpu.memory_space<vmem>>
      %dma_wait3A_323 = arith.constant 0 : i32
      %dma_wait3A_324 = arith.constant 0 : i32
      %dma_wait3A_325 = tpu.memref_slice %arg2[%dma_wait3A_323, %dma_wait3A_324] : memref<10000x128xf32, #tpu.memory_space<hbm>> -> memref<10000x128xf32, #tpu.memory_space<hbm>>
      tpu.wait_indirect_dma semaphore(%arg12 : memref<!tpu.dma_semaphore, #tpu.memory_space<semaphore_mem>>) src(%dma_wait3A_325 : memref<10000x128xf32, #tpu.memory_space<hbm>>) dst(%arg7 : memref<128x128xf32, #tpu.memory_space<vmem>>)
      %dma_start3A_326 = arith.constant 1 : i32
      %dma_start3A_327 = arith.constant 7 : i32
      %dma_start3A_328 = arith.constant 0 : i32
      %dma_start3A_329 = tpu.memref_slice %arg8[%select_n3A_38, %dma_start3A_326, %dma_start3A_327, %dma_start3A_328] : memref<2x2x8x128xi32, #tpu.memory_space<vmem>> -> memref<1x1x1x128xi32, #tpu.memory_space<vmem>>
      %dma_start3A_330 = tpu.memref_squeeze %dma_start3A_329 : memref<1x1x1x128xi32, #tpu.memory_space<vmem>> -> memref<128xi32, #tpu.memory_space<vmem>>
      %dma_start3A_331 = arith.constant 0 : i32
      %dma_start3A_332 = arith.constant 0 : i32
      %dma_start3A_333 = tpu.memref_slice %arg9[%dma_start3A_331, %dma_start3A_332] : memref<10240x128xf32, #tpu.memory_space<vmem_shared>> -> memref<10240x128xf32, #tpu.memory_space<vmem_shared>>
      tpu.enqueue_indirect_dma source(%arg7 : memref<128x128xf32, #tpu.memory_space<vmem>>) target(%dma_start3A_333 : memref<10240x128xf32, #tpu.memory_space<vmem_shared>>) offsets(%dma_start3A_330 : memref<128xi32, #tpu.memory_space<vmem>>) semaphore(%arg14 : memref<!tpu.dma_semaphore, #tpu.memory_space<semaphore_mem>>) {add = true}
      %dma_wait3A_334 = arith.constant 1 : i32
      %dma_wait3A_335 = arith.constant 0 : i32
      %dma_wait3A_336 = arith.constant 0 : i32
      %dma_wait3A_337 = tpu.memref_slice %arg8[%select_n3A_38, %dma_wait3A_334, %dma_wait3A_335, %dma_wait3A_336] : memref<2x2x8x128xi32, #tpu.memory_space<vmem>> -> memref<1x1x1x128xi32, #tpu.memory_space<vmem>>
      %dma_wait3A_338 = tpu.memref_squeeze %dma_wait3A_337 : memref<1x1x1x128xi32, #tpu.memory_space<vmem>> -> memref<128xi32, #tpu.memory_space<vmem>>
      %dma_wait3A_339 = arith.constant 0 : i32
      %dma_wait3A_340 = arith.constant 0 : i32
      %dma_wait3A_341 = tpu.memref_slice %arg9[%dma_wait3A_339, %dma_wait3A_340] : memref<10240x128xf32, #tpu.memory_space<vmem_shared>> -> memref<10240x128xf32, #tpu.memory_space<vmem_shared>>
      tpu.wait_indirect_dma semaphore(%arg13 : memref<!tpu.dma_semaphore, #tpu.memory_space<semaphore_mem>>) src(%arg6 : memref<128x128xf32, #tpu.memory_space<vmem>>) dst(%dma_wait3A_341 : memref<10240x128xf32, #tpu.memory_space<vmem_shared>>)
      %lt3A_342 = arith.constant 9 : i32
      %lt3A_343 = arith.cmpi slt, %add3A_29, %lt3A_342 : i32
      %convert_element_type3A_344 = arith.extui %lt3A_343 : i1 to i32
      %cond3A_345 = arith.constant 0 : i32
      %cond3A_346 = arith.cmpi ne, %convert_element_type3A_344, %cond3A_345 : i32
      scf.if %cond3A_346 {
        %dma_start3A_347 = arith.constant 0 : i32
        %dma_start3A_348 = arith.constant 0 : i32
        %dma_start3A_349 = arith.constant 0 : i32
        %dma_start3A_350 = tpu.memref_slice %arg8[%select_n3A_56, %dma_start3A_347, %dma_start3A_348, %dma_start3A_349] : memref<2x2x8x128xi32, #tpu.memory_space<vmem>> -> memref<1x1x1x128xi32, #tpu.memory_space<vmem>>
        %dma_start3A_351 = tpu.memref_squeeze %dma_start3A_350 : memref<1x1x1x128xi32, #tpu.memory_space<vmem>> -> memref<128xi32, #tpu.memory_space<vmem>>
        %dma_start3A_352 = arith.constant 0 : i32
        %dma_start3A_353 = arith.constant 0 : i32
        %dma_start3A_354 = tpu.memref_slice %arg2[%dma_start3A_352, %dma_start3A_353] : memref<10000x128xf32, #tpu.memory_space<hbm>> -> memref<10000x128xf32, #tpu.memory_space<hbm>>
        tpu.enqueue_indirect_dma source(%dma_start3A_354 : memref<10000x128xf32, #tpu.memory_space<hbm>>) target(%arg6 : memref<128x128xf32, #tpu.memory_space<vmem>>) offsets(%dma_start3A_351 : memref<128xi32, #tpu.memory_space<vmem>>) semaphore(%arg11 : memref<!tpu.dma_semaphore, #tpu.memory_space<semaphore_mem>>)
      } else {
      }
    }
    %scan3A_15 = arith.constant 10 : i32
    %dma_wait3A = arith.constant 0 : i32
    %dma_wait3A_16 = arith.constant 1 : i32
    %dma_wait3A_17 = arith.constant 0 : i32
    %dma_wait3A_18 = arith.constant 0 : i32
    %dma_wait3A_19 = tpu.memref_slice %arg8[%dma_wait3A, %dma_wait3A_16, %dma_wait3A_17, %dma_wait3A_18] : memref<2x2x8x128xi32, #tpu.memory_space<vmem>> -> memref<1x1x1x128xi32, #tpu.memory_space<vmem>>
    %dma_wait3A_20 = tpu.memref_squeeze %dma_wait3A_19 : memref<1x1x1x128xi32, #tpu.memory_space<vmem>> -> memref<128xi32, #tpu.memory_space<vmem>>
    %dma_wait3A_21 = arith.constant 0 : i32
    %dma_wait3A_22 = arith.constant 0 : i32
    %dma_wait3A_23 = tpu.memref_slice %arg9[%dma_wait3A_21, %dma_wait3A_22] : memref<10240x128xf32, #tpu.memory_space<vmem_shared>> -> memref<10240x128xf32, #tpu.memory_space<vmem_shared>>
    tpu.wait_indirect_dma semaphore(%arg14 : memref<!tpu.dma_semaphore, #tpu.memory_space<semaphore_mem>>) src(%arg7 : memref<128x128xf32, #tpu.memory_space<vmem>>) dst(%dma_wait3A_23 : memref<10240x128xf32, #tpu.memory_space<vmem_shared>>)
    %barrier3A_24 = arith.constant 0 : index
    tpu.barrier barrier_id(%barrier3A_24)
    "tpu.region"() ({
      %run_scoped3A_25 = tpu.sem_alloc : memref<!tpu.dma_semaphore, #tpu.memory_space<semaphore_mem>>
      %dma_start3A_26 = arith.constant 0 : i32
      %dma_start3A_27 = tpu.memref_slice %arg5[%arg0, %mul3A_0, %dma_start3A_26] : memref<2x10240x128xf32, #tpu.memory_space<hbm>> -> memref<1x640x128xf32, #tpu.memory_space<hbm>>
      %dma_start3A_28 = tpu.memref_squeeze %dma_start3A_27 : memref<1x640x128xf32, #tpu.memory_space<hbm>> -> memref<640x128xf32, #tpu.memory_space<hbm>>
      %dma_start3A_29 = arith.constant 0 : i32
      %dma_start3A_30 = tpu.memref_slice %arg9[%mul3A_0, %dma_start3A_29] : memref<10240x128xf32, #tpu.memory_space<vmem_shared>> -> memref<640x128xf32, #tpu.memory_space<vmem_shared>>
      tpu.enqueue_dma source(%dma_start3A_30 : memref<640x128xf32, #tpu.memory_space<vmem_shared>>) target(%dma_start3A_28 : memref<640x128xf32, #tpu.memory_space<hbm>>) target_semaphore(%run_scoped3A_25 : memref<!tpu.dma_semaphore, #tpu.memory_space<semaphore_mem>>)
      %dma_wait3A_31 = arith.constant 0 : i32
      %dma_wait3A_32 = tpu.memref_slice %arg5[%arg0, %mul3A_0, %dma_wait3A_31] : memref<2x10240x128xf32, #tpu.memory_space<hbm>> -> memref<1x640x128xf32, #tpu.memory_space<hbm>>
      %dma_wait3A_33 = tpu.memref_squeeze %dma_wait3A_32 : memref<1x640x128xf32, #tpu.memory_space<hbm>> -> memref<640x128xf32, #tpu.memory_space<hbm>>
      %dma_wait3A_34 = arith.constant 0 : i32
      %dma_wait3A_35 = tpu.memref_slice %arg9[%mul3A_0, %dma_wait3A_34] : memref<10240x128xf32, #tpu.memory_space<vmem_shared>> -> memref<640x128xf32, #tpu.memory_space<vmem_shared>>
      tpu.wait_dma2 semaphore(%run_scoped3A_25 : memref<!tpu.dma_semaphore, #tpu.memory_space<semaphore_mem>>) src(%dma_wait3A_35 : memref<640x128xf32, #tpu.memory_space<vmem_shared>>) dst(%dma_wait3A_33 : memref<640x128xf32, #tpu.memory_space<hbm>>)
      tpu.yield
    }) : () -> ()
    return
  }
}

module attributes {stable_mosaic.version = 14 : i64} {
  func.func @_mlp1_body(%arg0: i32, %arg1: memref<512x128xf32, #tpu.memory_space<vmem>>, %arg2: memref<2x512x128xf32, #tpu.memory_space<vmem>>, %arg3: memref<128x256xf32, #tpu.memory_space<vmem>>, %arg4: memref<1x256xf32, #tpu.memory_space<vmem>>, %arg5: memref<256x256xf32, #tpu.memory_space<vmem>>, %arg6: memref<1x256xf32, #tpu.memory_space<vmem>>, %arg7: memref<2x512x128xf32, #tpu.memory_space<vmem>>) attributes {dimension_semantics = [#tpu.dimension_semantics<arbitrary>], iteration_bounds = array<i64: 20>, scalar_prefetch = 0 : i64, scratch_operands = 0 : i64, tpu.core_type = #tpu.core_type<tc>, window_params = [{transform_indices = @transform_0, window_bounds = array<i64: 512, 128>}, {transform_indices = @transform_1, window_bounds = array<i64: 2, 512, 128>}, {pipeline_mode = #tpu.pipeline_mode<synchronous>, transform_indices = @transform_2, window_bounds = array<i64: 128, 256>}, {pipeline_mode = #tpu.pipeline_mode<synchronous>, transform_indices = @transform_3, window_bounds = array<i64: 1, 256>}, {pipeline_mode = #tpu.pipeline_mode<synchronous>, transform_indices = @transform_4, window_bounds = array<i64: 256, 256>}, {pipeline_mode = #tpu.pipeline_mode<synchronous>, transform_indices = @transform_5, window_bounds = array<i64: 1, 256>}, {transform_indices = @transform_6, window_bounds = array<i64: 2, 512, 128>}]} {
    %get3A = arith.constant 0 : index
    %get3A_0 = arith.constant 0 : index
    %get3A_1 = vector.load %arg1[%get3A, %get3A_0] : memref<512x128xf32, #tpu.memory_space<vmem>>, vector<512x128xf32>
    %get3A_2 = arith.constant 0 : index
    %get3A_3 = arith.constant 0 : index
    %get3A_4 = arith.constant 0 : index
    %get3A_5 = vector.load %arg2[%get3A_2, %get3A_3, %get3A_4] : memref<2x512x128xf32, #tpu.memory_space<vmem>>, vector<1x512x128xf32>
    %get3A_6 = vector.shape_cast %get3A_5 : vector<1x512x128xf32> to vector<512x128xf32>
    %add3A = arith.addf %get3A_1, %get3A_6 : vector<512x128xf32>
    %get3A_7 = arith.constant 1 : index
    %get3A_8 = arith.constant 0 : index
    %get3A_9 = arith.constant 0 : index
    %get3A_10 = vector.load %arg2[%get3A_7, %get3A_8, %get3A_9] : memref<2x512x128xf32, #tpu.memory_space<vmem>>, vector<1x512x128xf32>
    %get3A_11 = vector.shape_cast %get3A_10 : vector<1x512x128xf32> to vector<512x128xf32>
    %add3A_12 = arith.addf %add3A, %get3A_11 : vector<512x128xf32>
    %get3A_13 = arith.constant 0 : index
    %get3A_14 = arith.constant 0 : index
    %get3A_15 = vector.load %arg3[%get3A_13, %get3A_14] : memref<128x256xf32, #tpu.memory_space<vmem>>, vector<128x256xf32>
    %convert_element_type3A = arith.truncf %add3A_12 : vector<512x128xf32> to vector<512x128xbf16>
    %convert_element_type3A_16 = arith.truncf %get3A_15 : vector<128x256xf32> to vector<128x256xbf16>
    %dot_general3A = arith.constant dense<0.000000e+00> : vector<512x256xf32>
    %dot_general3A_17 = tpu.matmul %convert_element_type3A, %convert_element_type3A_16, %dot_general3A {dimension_numbers = #tpu.dot_dimension_numbers<[1], [0], [0], [1], [0, 0, 1, 1], [], []>, transpose_lhs_hint = false} : vector<512x128xbf16>, vector<128x256xbf16>, vector<512x256xf32> -> vector<512x256xf32>
    %get3A_18 = arith.constant 0 : index
    %get3A_19 = arith.constant 0 : index
    %get3A_20 = vector.load %arg4[%get3A_18, %get3A_19] : memref<1x256xf32, #tpu.memory_space<vmem>>, vector<1x256xf32>
    %add3A_21 = vector.broadcast %get3A_20 : vector<1x256xf32> to vector<512x256xf32>
    %add3A_22 = arith.addf %dot_general3A_17, %add3A_21 : vector<512x256xf32>
    %max3A = arith.constant 0.000000e+00 : f32
    %max3A_23 = vector.broadcast %max3A : f32 to vector<512x256xf32>
    %max3A_24 = arith.maximumf %add3A_22, %max3A_23 : vector<512x256xf32>
    %get3A_25 = arith.constant 0 : index
    %get3A_26 = arith.constant 0 : index
    %get3A_27 = vector.load %arg5[%get3A_25, %get3A_26] : memref<256x256xf32, #tpu.memory_space<vmem>>, vector<256x256xf32>
    %convert_element_type3A_28 = arith.truncf %max3A_24 : vector<512x256xf32> to vector<512x256xbf16>
    %convert_element_type3A_29 = arith.truncf %get3A_27 : vector<256x256xf32> to vector<256x256xbf16>
    %dot_general3A_30 = arith.constant dense<0.000000e+00> : vector<512x256xf32>
    %dot_general3A_31 = tpu.matmul %convert_element_type3A_28, %convert_element_type3A_29, %dot_general3A_30 {dimension_numbers = #tpu.dot_dimension_numbers<[1], [0], [0], [1], [0, 0, 1, 1], [], []>, transpose_lhs_hint = false} : vector<512x256xbf16>, vector<256x256xbf16>, vector<512x256xf32> -> vector<512x256xf32>
    %get3A_32 = arith.constant 0 : index
    %get3A_33 = arith.constant 0 : index
    %get3A_34 = vector.load %arg6[%get3A_32, %get3A_33] : memref<1x256xf32, #tpu.memory_space<vmem>>, vector<1x256xf32>
    %add3A_35 = vector.broadcast %get3A_34 : vector<1x256xf32> to vector<512x256xf32>
    %add3A_36 = arith.addf %dot_general3A_31, %add3A_35 : vector<512x256xf32>
    %max3A_37 = arith.constant 0.000000e+00 : f32
    %max3A_38 = vector.broadcast %max3A_37 : f32 to vector<512x256xf32>
    %max3A_39 = arith.maximumf %add3A_36, %max3A_38 : vector<512x256xf32>
    %slice3A = vector.extract_strided_slice %max3A_39 {offsets = [0, 0], sizes = [512, 128], strides = [1, 1]} : vector<512x256xf32> to vector<512x128xf32>
    %swap3A = arith.constant 0 : index
    %swap3A_40 = arith.constant 0 : index
    %swap3A_41 = arith.constant 0 : index
    %swap3A_42 = vector.load %arg7[%swap3A, %swap3A_40, %swap3A_41] : memref<2x512x128xf32, #tpu.memory_space<vmem>>, vector<1x512x128xf32>
    %swap3A_43 = vector.shape_cast %swap3A_42 : vector<1x512x128xf32> to vector<512x128xf32>
    %swap3A_44 = vector.shape_cast %slice3A : vector<512x128xf32> to vector<1x512x128xf32>
    tpu.vector_store %arg7[%swap3A, %swap3A_40, %swap3A_41], %swap3A_44 {strides = array<i32>} : memref<2x512x128xf32, #tpu.memory_space<vmem>>, vector<1x512x128xf32>,
    %slice3A_45 = vector.extract_strided_slice %max3A_39 {offsets = [0, 128], sizes = [512, 128], strides = [1, 1]} : vector<512x256xf32> to vector<512x128xf32>
    %swap3A_46 = arith.constant 1 : index
    %swap3A_47 = arith.constant 0 : index
    %swap3A_48 = arith.constant 0 : index
    %swap3A_49 = vector.load %arg7[%swap3A_46, %swap3A_47, %swap3A_48] : memref<2x512x128xf32, #tpu.memory_space<vmem>>, vector<1x512x128xf32>
    %swap3A_50 = vector.shape_cast %swap3A_49 : vector<1x512x128xf32> to vector<512x128xf32>
    %swap3A_51 = vector.shape_cast %slice3A_45 : vector<512x128xf32> to vector<1x512x128xf32>
    tpu.vector_store %arg7[%swap3A_46, %swap3A_47, %swap3A_48], %swap3A_51 {strides = array<i32>} : memref<2x512x128xf32, #tpu.memory_space<vmem>>, vector<1x512x128xf32>,
    return
  }
  func.func @transform_0(%arg0: i32) -> (i32, i32) {
    %c0_i32 = arith.constant 0 : i32
    %c0_i32_0 = arith.constant 0 : i32
    return %arg0, %c0_i32 : i32, i32
  }
  func.func @transform_1(%arg0: i32) -> (i32, i32, i32) {
    %c0_i32 = arith.constant 0 : i32
    %c0_i32_0 = arith.constant 0 : i32
    %c0_i32_1 = arith.constant 0 : i32
    return %c0_i32, %arg0, %c0_i32_0 : i32, i32, i32
  }
  func.func @transform_2(%arg0: i32) -> (i32, i32) {
    %c0_i32 = arith.constant 0 : i32
    %c0_i32_0 = arith.constant 0 : i32
    %c0_i32_1 = arith.constant 0 : i32
    return %c0_i32, %c0_i32_0 : i32, i32
  }
  func.func @transform_3(%arg0: i32) -> (i32, i32) {
    %c0_i32 = arith.constant 0 : i32
    %c0_i32_0 = arith.constant 0 : i32
    %c0_i32_1 = arith.constant 0 : i32
    return %c0_i32, %c0_i32_0 : i32, i32
  }
  func.func @transform_4(%arg0: i32) -> (i32, i32) {
    %c0_i32 = arith.constant 0 : i32
    %c0_i32_0 = arith.constant 0 : i32
    %c0_i32_1 = arith.constant 0 : i32
    return %c0_i32, %c0_i32_0 : i32, i32
  }
  func.func @transform_5(%arg0: i32) -> (i32, i32) {
    %c0_i32 = arith.constant 0 : i32
    %c0_i32_0 = arith.constant 0 : i32
    %c0_i32_1 = arith.constant 0 : i32
    return %c0_i32, %c0_i32_0 : i32, i32
  }
  func.func @transform_6(%arg0: i32) -> (i32, i32, i32) {
    %c0_i32 = arith.constant 0 : i32
    %c0_i32_0 = arith.constant 0 : i32
    %c0_i32_1 = arith.constant 0 : i32
    return %c0_i32, %arg0, %c0_i32_0 : i32, i32, i32
  }
}

module attributes {stable_mosaic.version = 14 : i64} {
  func.func @_mlp2_body(%arg0: i32, %arg1: memref<2x512x128xf32, #tpu.memory_space<vmem>>, %arg2: memref<256x256xf32, #tpu.memory_space<vmem>>, %arg3: memref<1x256xf32, #tpu.memory_space<vmem>>, %arg4: memref<256x256xf32, #tpu.memory_space<vmem>>, %arg5: memref<1x256xf32, #tpu.memory_space<vmem>>, %arg6: memref<256x256xf32, #tpu.memory_space<vmem>>, %arg7: memref<1x256xf32, #tpu.memory_space<vmem>>, %arg8: memref<256x128xf32, #tpu.memory_space<vmem>>, %arg9: memref<1x128xf32, #tpu.memory_space<vmem>>, %arg10: memref<512x128xf32, #tpu.memory_space<vmem>>) attributes {dimension_semantics = [#tpu.dimension_semantics<arbitrary>], iteration_bounds = array<i64: 20>, scalar_prefetch = 0 : i64, scratch_operands = 0 : i64, tpu.core_type = #tpu.core_type<tc>, window_params = [{transform_indices = @transform_0, window_bounds = array<i64: 2, 512, 128>}, {pipeline_mode = #tpu.pipeline_mode<synchronous>, transform_indices = @transform_1, window_bounds = array<i64: 256, 256>}, {pipeline_mode = #tpu.pipeline_mode<synchronous>, transform_indices = @transform_2, window_bounds = array<i64: 1, 256>}, {pipeline_mode = #tpu.pipeline_mode<synchronous>, transform_indices = @transform_3, window_bounds = array<i64: 256, 256>}, {pipeline_mode = #tpu.pipeline_mode<synchronous>, transform_indices = @transform_4, window_bounds = array<i64: 1, 256>}, {pipeline_mode = #tpu.pipeline_mode<synchronous>, transform_indices = @transform_5, window_bounds = array<i64: 256, 256>}, {pipeline_mode = #tpu.pipeline_mode<synchronous>, transform_indices = @transform_6, window_bounds = array<i64: 1, 256>}, {pipeline_mode = #tpu.pipeline_mode<synchronous>, transform_indices = @transform_7, window_bounds = array<i64: 256, 128>}, {pipeline_mode = #tpu.pipeline_mode<synchronous>, transform_indices = @transform_8, window_bounds = array<i64: 1, 128>}, {transform_indices = @transform_9, window_bounds = array<i64: 512, 128>}]} {
    %get3A = arith.constant 0 : index
    %get3A_0 = arith.constant 0 : index
    %get3A_1 = arith.constant 0 : index
    %get3A_2 = vector.load %arg1[%get3A, %get3A_0, %get3A_1] : memref<2x512x128xf32, #tpu.memory_space<vmem>>, vector<1x512x128xf32>
    %get3A_3 = vector.shape_cast %get3A_2 : vector<1x512x128xf32> to vector<512x128xf32>
    %get3A_4 = arith.constant 0 : index
    %get3A_5 = arith.constant 0 : index
    %get3A_6 = vector.load %arg2[%get3A_4, %get3A_5] : memref<256x256xf32, #tpu.memory_space<vmem>>, vector<128x256xf32>
    %convert_element_type3A = arith.truncf %get3A_3 : vector<512x128xf32> to vector<512x128xbf16>
    %convert_element_type3A_7 = arith.truncf %get3A_6 : vector<128x256xf32> to vector<128x256xbf16>
    %dot_general3A = arith.constant dense<0.000000e+00> : vector<512x256xf32>
    %dot_general3A_8 = tpu.matmul %convert_element_type3A, %convert_element_type3A_7, %dot_general3A {dimension_numbers = #tpu.dot_dimension_numbers<[1], [0], [0], [1], [0, 0, 1, 1], [], []>, transpose_lhs_hint = false} : vector<512x128xbf16>, vector<128x256xbf16>, vector<512x256xf32> -> vector<512x256xf32>
    %get3A_9 = arith.constant 1 : index
    %get3A_10 = arith.constant 0 : index
    %get3A_11 = arith.constant 0 : index
    %get3A_12 = vector.load %arg1[%get3A_9, %get3A_10, %get3A_11] : memref<2x512x128xf32, #tpu.memory_space<vmem>>, vector<1x512x128xf32>
    %get3A_13 = vector.shape_cast %get3A_12 : vector<1x512x128xf32> to vector<512x128xf32>
    %get3A_14 = arith.constant 128 : index
    %get3A_15 = arith.constant 0 : index
    %get3A_16 = vector.load %arg2[%get3A_14, %get3A_15] : memref<256x256xf32, #tpu.memory_space<vmem>>, vector<128x256xf32>
    %convert_element_type3A_17 = arith.truncf %get3A_13 : vector<512x128xf32> to vector<512x128xbf16>
    %convert_element_type3A_18 = arith.truncf %get3A_16 : vector<128x256xf32> to vector<128x256xbf16>
    %dot_general3A_19 = arith.constant dense<0.000000e+00> : vector<512x256xf32>
    %dot_general3A_20 = tpu.matmul %convert_element_type3A_17, %convert_element_type3A_18, %dot_general3A_19 {dimension_numbers = #tpu.dot_dimension_numbers<[1], [0], [0], [1], [0, 0, 1, 1], [], []>, transpose_lhs_hint = false} : vector<512x128xbf16>, vector<128x256xbf16>, vector<512x256xf32> -> vector<512x256xf32>
    %add3A = arith.addf %dot_general3A_8, %dot_general3A_20 : vector<512x256xf32>
    %get3A_21 = arith.constant 0 : index
    %get3A_22 = arith.constant 0 : index
    %get3A_23 = vector.load %arg3[%get3A_21, %get3A_22] : memref<1x256xf32, #tpu.memory_space<vmem>>, vector<1x256xf32>
    %add3A_24 = vector.broadcast %get3A_23 : vector<1x256xf32> to vector<512x256xf32>
    %add3A_25 = arith.addf %add3A, %add3A_24 : vector<512x256xf32>
    %max3A = arith.constant 0.000000e+00 : f32
    %max3A_26 = vector.broadcast %max3A : f32 to vector<512x256xf32>
    %max3A_27 = arith.maximumf %add3A_25, %max3A_26 : vector<512x256xf32>
    %get3A_28 = arith.constant 0 : index
    %get3A_29 = arith.constant 0 : index
    %get3A_30 = vector.load %arg4[%get3A_28, %get3A_29] : memref<256x256xf32, #tpu.memory_space<vmem>>, vector<256x256xf32>
    %convert_element_type3A_31 = arith.truncf %max3A_27 : vector<512x256xf32> to vector<512x256xbf16>
    %convert_element_type3A_32 = arith.truncf %get3A_30 : vector<256x256xf32> to vector<256x256xbf16>
    %dot_general3A_33 = arith.constant dense<0.000000e+00> : vector<512x256xf32>
    %dot_general3A_34 = tpu.matmul %convert_element_type3A_31, %convert_element_type3A_32, %dot_general3A_33 {dimension_numbers = #tpu.dot_dimension_numbers<[1], [0], [0], [1], [0, 0, 1, 1], [], []>, transpose_lhs_hint = false} : vector<512x256xbf16>, vector<256x256xbf16>, vector<512x256xf32> -> vector<512x256xf32>
    %get3A_35 = arith.constant 0 : index
    %get3A_36 = arith.constant 0 : index
    %get3A_37 = vector.load %arg5[%get3A_35, %get3A_36] : memref<1x256xf32, #tpu.memory_space<vmem>>, vector<1x256xf32>
    %add3A_38 = vector.broadcast %get3A_37 : vector<1x256xf32> to vector<512x256xf32>
    %add3A_39 = arith.addf %dot_general3A_34, %add3A_38 : vector<512x256xf32>
    %max3A_40 = arith.constant 0.000000e+00 : f32
    %max3A_41 = vector.broadcast %max3A_40 : f32 to vector<512x256xf32>
    %max3A_42 = arith.maximumf %add3A_39, %max3A_41 : vector<512x256xf32>
    %get3A_43 = arith.constant 0 : index
    %get3A_44 = arith.constant 0 : index
    %get3A_45 = vector.load %arg6[%get3A_43, %get3A_44] : memref<256x256xf32, #tpu.memory_space<vmem>>, vector<256x256xf32>
    %convert_element_type3A_46 = arith.truncf %max3A_42 : vector<512x256xf32> to vector<512x256xbf16>
    %convert_element_type3A_47 = arith.truncf %get3A_45 : vector<256x256xf32> to vector<256x256xbf16>
    %dot_general3A_48 = arith.constant dense<0.000000e+00> : vector<512x256xf32>
    %dot_general3A_49 = tpu.matmul %convert_element_type3A_46, %convert_element_type3A_47, %dot_general3A_48 {dimension_numbers = #tpu.dot_dimension_numbers<[1], [0], [0], [1], [0, 0, 1, 1], [], []>, transpose_lhs_hint = false} : vector<512x256xbf16>, vector<256x256xbf16>, vector<512x256xf32> -> vector<512x256xf32>
    %get3A_50 = arith.constant 0 : index
    %get3A_51 = arith.constant 0 : index
    %get3A_52 = vector.load %arg7[%get3A_50, %get3A_51] : memref<1x256xf32, #tpu.memory_space<vmem>>, vector<1x256xf32>
    %add3A_53 = vector.broadcast %get3A_52 : vector<1x256xf32> to vector<512x256xf32>
    %add3A_54 = arith.addf %dot_general3A_49, %add3A_53 : vector<512x256xf32>
    %max3A_55 = arith.constant 0.000000e+00 : f32
    %max3A_56 = vector.broadcast %max3A_55 : f32 to vector<512x256xf32>
    %max3A_57 = arith.maximumf %add3A_54, %max3A_56 : vector<512x256xf32>
    %get3A_58 = arith.constant 0 : index
    %get3A_59 = arith.constant 0 : index
    %get3A_60 = vector.load %arg8[%get3A_58, %get3A_59] : memref<256x128xf32, #tpu.memory_space<vmem>>, vector<256x128xf32>
    %convert_element_type3A_61 = arith.truncf %max3A_57 : vector<512x256xf32> to vector<512x256xbf16>
    %convert_element_type3A_62 = arith.truncf %get3A_60 : vector<256x128xf32> to vector<256x128xbf16>
    %dot_general3A_63 = arith.constant dense<0.000000e+00> : vector<512x128xf32>
    %dot_general3A_64 = tpu.matmul %convert_element_type3A_61, %convert_element_type3A_62, %dot_general3A_63 {dimension_numbers = #tpu.dot_dimension_numbers<[1], [0], [0], [1], [0, 0, 1, 1], [], []>, transpose_lhs_hint = false} : vector<512x256xbf16>, vector<256x128xbf16>, vector<512x128xf32> -> vector<512x128xf32>
    %get3A_65 = arith.constant 0 : index
    %get3A_66 = arith.constant 0 : index
    %get3A_67 = vector.load %arg9[%get3A_65, %get3A_66] : memref<1x128xf32, #tpu.memory_space<vmem>>, vector<1x128xf32>
    %add3A_68 = vector.broadcast %get3A_67 : vector<1x128xf32> to vector<512x128xf32>
    %add3A_69 = arith.addf %dot_general3A_64, %add3A_68 : vector<512x128xf32>
    %swap3A = arith.constant 0 : index
    %swap3A_70 = arith.constant 0 : index
    %swap3A_71 = vector.load %arg10[%swap3A, %swap3A_70] : memref<512x128xf32, #tpu.memory_space<vmem>>, vector<512x128xf32>
    tpu.vector_store %arg10[%swap3A, %swap3A_70], %add3A_69 {strides = array<i32>} : memref<512x128xf32, #tpu.memory_space<vmem>>, vector<512x128xf32>,
    return
  }
  func.func @transform_0(%arg0: i32) -> (i32, i32, i32) {
    %c0_i32 = arith.constant 0 : i32
    %c0_i32_0 = arith.constant 0 : i32
    %c0_i32_1 = arith.constant 0 : i32
    return %c0_i32, %arg0, %c0_i32_0 : i32, i32, i32
  }
  func.func @transform_1(%arg0: i32) -> (i32, i32) {
    %c0_i32 = arith.constant 0 : i32
    %c0_i32_0 = arith.constant 0 : i32
    %c0_i32_1 = arith.constant 0 : i32
    return %c0_i32, %c0_i32_0 : i32, i32
  }
  func.func @transform_2(%arg0: i32) -> (i32, i32) {
    %c0_i32 = arith.constant 0 : i32
    %c0_i32_0 = arith.constant 0 : i32
    %c0_i32_1 = arith.constant 0 : i32
    return %c0_i32, %c0_i32_0 : i32, i32
  }
  func.func @transform_3(%arg0: i32) -> (i32, i32) {
    %c0_i32 = arith.constant 0 : i32
    %c0_i32_0 = arith.constant 0 : i32
    %c0_i32_1 = arith.constant 0 : i32
    return %c0_i32, %c0_i32_0 : i32, i32
  }
  func.func @transform_4(%arg0: i32) -> (i32, i32) {
    %c0_i32 = arith.constant 0 : i32
    %c0_i32_0 = arith.constant 0 : i32
    %c0_i32_1 = arith.constant 0 : i32
    return %c0_i32, %c0_i32_0 : i32, i32
  }
  func.func @transform_5(%arg0: i32) -> (i32, i32) {
    %c0_i32 = arith.constant 0 : i32
    %c0_i32_0 = arith.constant 0 : i32
    %c0_i32_1 = arith.constant 0 : i32
    return %c0_i32, %c0_i32_0 : i32, i32
  }
  func.func @transform_6(%arg0: i32) -> (i32, i32) {
    %c0_i32 = arith.constant 0 : i32
    %c0_i32_0 = arith.constant 0 : i32
    %c0_i32_1 = arith.constant 0 : i32
    return %c0_i32, %c0_i32_0 : i32, i32
  }
  func.func @transform_7(%arg0: i32) -> (i32, i32) {
    %c0_i32 = arith.constant 0 : i32
    %c0_i32_0 = arith.constant 0 : i32
    %c0_i32_1 = arith.constant 0 : i32
    return %c0_i32, %c0_i32_0 : i32, i32
  }
  func.func @transform_8(%arg0: i32) -> (i32, i32) {
    %c0_i32 = arith.constant 0 : i32
    %c0_i32_0 = arith.constant 0 : i32
    %c0_i32_1 = arith.constant 0 : i32
    return %c0_i32, %c0_i32_0 : i32, i32
  }
  func.func @transform_9(%arg0: i32) -> (i32, i32) {
    %c0_i32 = arith.constant 0 : i32
    %c0_i32_0 = arith.constant 0 : i32
    return %arg0, %c0_i32 : i32, i32
  }
}

</mosaic_0001>

<sc_bundles>
// kernel: kernel.6.cloned.1.call-start
scs
__scs_entry_jumppad:
0x0: {  	(pc) =	sbr.rel $0x88, $3  }
0x1: {  	(tag) =	ssettag $0x0;
	lr =	simm.s32 $0x1  }
0x2: {  	[smem:$0x3F93] =	sst lr;
	_ =	strace $0xD0000000  }
0x3: {  	_ = 	snop  }
0x4: {  	_ = 	snop  }
0x5: {  	_ = 	snop  }
0x6: {  	_ = 	snop  }
0x7: {  	_ = 	snop  }
__scs_overlays_trampoline_lowered:
0x8: {  	[smem:$0x3FA2] =	sst s0  }
0x9: {  	[smem:$0x3FA3] =	sst s1  }
0xa: {  	[smem:$0x3FA4] =	sst s2  }
0xb: {  	[smem:$0x3FA5] =	sst s3  }
0xc: {  	[smem:$0x3FA6] =	sst s4  }
0xd: {  	[smem:$0x3FA7] =	sst s5  }
0xe: {  	[smem:$0x3FA8] =	sst s6  }
0xf: {  	[smem:$0x3FA9] =	sst s7  }
0x10: {  	[smem:$0x3FAA] =	sst s8  }
0x11: {  	[smem:$0x3FAB] =	sst s9;
	s0 =	simm.s32 @!p0 $0x0  }
0x12: {  	s1 =	sld [smem:$0x3F91];
	s0 =	simm.s32 @p0 $0x1  }
0x13: {  	[smem:$0x3FAC] =	sst s0;
	s0 =	simm.s32 @!p1 $0x0  }
0x14: {  	s2 =	sld [smem:$0x3F90];
	s0 =	simm.s32 @p1 $0x1  }
0x15: {  	[smem:$0x3FAD] =	sst s0;
	s0 =	simm.s32 @!p2 $0x0  }
0x16: {  	s3 =	sld [smem:$0x3FDB];
	s0 =	simm.s32 @p2 $0x1  }
0x17: {  	s4 =	simm.s32 $0x1BF5;
	[smem:$0x3FAF] =	sst s0  }
0x18: {  	s0 =	sld [smem:$0x3F92];
	_ =	swait.ge [sflag:s4], $0x0  }
0x19: {  	s7 =	sld [smem:$0x3F93]  }
0x1a: {  	s8 =	sadd.s32 $0xFFFFE003, lr  }
0x1b: {  	s9 =	sadd.s32 $0xFFFFFEF7, lr;
	s5 =	simm.s32 $0xFFFFFFFF;
	p2 =	slt.u32 s8, $0xFFFFF086  }
0x1c: {  	p1 =	slt.u32 s9, $0xF7A;
	s5 =	simm.s32 @!p2 $0x0  }
0x1d: {  	s5 =	simm.s32 @p1 $0x1;
	p0 =	seq.s32 s7, s2  }
0x1e: {  	s7 =	smul.u32 @!p0 $0xF7A, s2;
	p2 =	seq.s32 @!p0 s5, $0x0  }
0x1f: {  	s9 =	smul.u32 $0xF7A, s1;
	s8 =	simm.s32 @!p0 $0x1BF5;
	p2 =	por !p2, p0  }
0x20: {  	[sflag:s8] =	ssyncset.s32 @!p0 $0xFFFFF086;
	s6 =	sadd.s32 @!p0 s3, s7;
	s7 =	simm.s32 @!p0 $0x108  }
0x21: {  	s3 =	sadd.s32 s3, s9;
	s6 =	sadd.s32 @!p0 $0x88, s6;
	s7 =	simm.s32 @p2 $0x1082  }
0x22: {  	[simem:s7], [sflag:s8] =	dma.local @!p0 [hbm:s6], $0xF7A  }
0x23: {  	s9 =	sor.u32 $0xD0000000, s2;
	s6 =	simm.s32 $0x108;
	_ =	swait.ge @!p0 [sflag:s8], $0x0  }
0x24: {  	s3 =	sadd.s32 $0x88, s3;
	s6 =	simm.s32 @!p1 $0x1082;
	[sflag:s4] =	ssyncset.s32 $0xFFFFF086  }
0x25: {  	[simem:s6], [sflag:s4] =	dma.local [hbm:s3], $0xF7A  }
0x26: {  	[smem:$0x3F93] =	sst s1;
	(tag) =	ssettag s2;
	_ =	strace s9  }
0x27: {  	s1 =	sld [smem:$0x3FA3]  }
0x28: {  	s2 =	sld [smem:$0x3FA4]  }
0x29: {  	s4 =	sld [smem:$0x3FA6]  }
0x2a: {  	p0 =	seq.s32 s5, $0x0;
	s5 =	sld [smem:$0x3FA7]  }
0x2b: {  	s6 =	sld [smem:$0x3FA8]  }
0x2c: {  	s7 =	sld [smem:$0x3FA9]  }
0x2d: {  	s3 =	simm.s32 $0x108;
	s8 =	sld [smem:$0x3FAA]  }
0x2e: {  	s3 =	simm.s32 @!p0 $0x1082;
	s9 =	sld [smem:$0x3FAB]  }
0x2f: {  	lr =	sadd.s32 s0, s3;
	s0 =	sld [smem:$0x3FA2]  }
0x30: {  	s3 =	sld [smem:$0x3FA5]  }
0x31: {  	[smem:$0x3FAE] =	sst s10  }
0x32: {  	s10 =	sld [smem:$0x3FAC];
	_ =	sdelay $0x3  }
0x33: {  	p0 =	seq.s32 s10, $0x1;
	s10 =	sld [smem:$0x3FAE];
	_ =	sdelay $0x3  }
0x34: {  	[smem:$0x3FAE] =	sst s10  }
0x35: {  	s10 =	sld [smem:$0x3FAD];
	_ =	sdelay $0x3  }
0x36: {  	p1 =	seq.s32 s10, $0x1;
	s10 =	sld [smem:$0x3FAE];
	_ =	sdelay $0x3  }
0x37: {  	[smem:$0x3FAE] =	sst s10  }
0x38: {  	s10 =	sld [smem:$0x3FAF]  }
0x39: {  	_ = 	snop;
	(pc) =	sbr.ind lr, $3  }
0x3a: {  	_ = 	snop  }
0x3b: {  	_ = 	snop  }
0x3c: {  	p2 =	seq.s32 s10, $0x1;
	s10 =	sld [smem:$0x3FAE]  }
0x3d: {  	_ =	shalt  }
0x3e: {  	_ =	shalt  }
0x3f: {  	_ =	shalt  }
0x40: {  	_ =	shalt  }
0x41: {  	_ =	shalt  }
0x42: {  	_ =	shalt  }
0x43: {  	_ =	shalt  }
0x44: {  	_ =	shalt  }
0x45: {  	_ =	shalt  }
0x46: {  	_ =	shalt  }
0x47: {  	_ =	shalt  }
0x48: {  	_ =	shalt  }
0x49: {  	_ =	shalt  }
0x4a: {  	_ =	shalt  }
0x4b: {  	_ =	shalt  }
0x4c: {  	_ =	shalt  }
0x4d: {  	_ =	shalt  }
0x4e: {  	_ =	shalt  }
0x4f: {  	_ =	shalt  }
0x50: {  	_ =	shalt  }
0x51: {  	_ =	shalt  }
0x52: {  	_ =	shalt  }
0x53: {  	_ =	shalt  }
0x54: {  	_ =	shalt  }
0x55: {  	_ =	shalt  }
0x56: {  	_ =	shalt  }
0x57: {  	_ =	shalt  }
0x58: {  	_ =	shalt  }
0x59: {  	_ =	shalt  }
0x5a: {  	_ =	shalt  }
0x5b: {  	_ =	shalt  }
0x5c: {  	_ =	shalt  }
0x5d: {  	_ =	shalt  }
0x5e: {  	_ =	shalt  }
0x5f: {  	_ =	shalt  }
0x60: {  	_ =	shalt  }
0x61: {  	_ =	shalt  }
0x62: {  	_ =	shalt  }
0x63: {  	_ =	shalt  }
0x64: {  	_ =	shalt  }
0x65: {  	_ =	shalt  }
0x66: {  	_ =	shalt  }
0x67: {  	_ =	shalt  }
0x68: {  	_ =	shalt  }
0x69: {  	_ =	shalt  }
0x6a: {  	_ =	shalt  }
0x6b: {  	_ =	shalt  }
0x6c: {  	_ =	shalt  }
0x6d: {  	_ =	shalt  }
0x6e: {  	_ =	shalt  }
0x6f: {  	_ =	shalt  }
0x70: {  	_ =	shalt  }
0x71: {  	_ =	shalt  }
0x72: {  	_ =	shalt  }
0x73: {  	_ =	shalt  }
0x74: {  	_ =	shalt  }
0x75: {  	_ =	shalt  }
0x76: {  	_ =	shalt  }
0x77: {  	_ =	shalt  }
0x78: {  	_ =	shalt  }
0x79: {  	_ =	shalt  }
0x7a: {  	_ =	shalt  }
0x7b: {  	_ =	shalt  }
0x7c: {  	_ =	shalt  }
0x7d: {  	_ =	shalt  }
0x7e: {  	_ =	shalt  }
0x7f: {  	_ =	shalt  }
0x80: {  	_ =	shalt  }
0x81: {  	_ =	shalt  }
0x82: {  	_ =	shalt  }
0x83: {  	_ =	shalt  }
0x84: {  	_ =	shalt  }
0x85: {  	_ =	shalt  }
0x86: {  	_ =	shalt  }
0x87: {  	_ =	shalt  }
.Lfunc_end0:
.L_simem_size_0:
called_computation_lowered:
.L_overlay_start_0:
0x88: {  	s2 =	sld [smem:$0x3FD9]  }
0x89: {  	s3 =	sld [smem:$0x3FFE];
	_ =	sdelay $0x1  }
0x8a: {  	s1 =	srdreg.scid  }
0x8b: {  	s0 =	sand.u32 $0x1, s1  }
0x8c: {  	s17 =	sshll.u32 s0, $0xA;
	s2 =	sadd.s32 s3, s2  }
0x8d: {  	s2 =	sadd.s32 s2, s17  }
0x8e: {  	[smem:$0x3FBA] =	sst s2  }
0x8f: {  	_ = 	snop  }
0x90: {  	s2 =	sld [smem:$0x3FC9];
	(tm) =	ssettm $0x1  }
0x91: {  	s18 =	sld [smem:$0x3FFB];
	_ =	sdelay $0x3  }
0x92: {  	_ =	strace s18  }
0x93: {  	s3 =	sld [smem:$0x3FFC];
	_ =	sdelay $0x3  }
0x94: {  	_ =	strace s3  }
0x95: {  	s3 =	sld [smem:$0x3FFD];
	_ =	sdelay $0x3  }
0x96: {  	_ =	strace s3  }
0x97: {  	_ =	strace $0x8FFFFFFF  }
0x98: {  	s19 =	sld [smem:$0x3FDB];
	_ =	sdelay $0x1  }
0x99: {  	s4 =	simm.s32 $_scs_section_size  }
0x9a: {  	s5 =	simm.s32 $_size__tile_overlayer_lowered;
	s6 =	simm.s32 $_tile_overlayer_lowered  }
0x9b: {  	s22 =	simm.s32 $0x1BFF;
	s21 =	sshll.u32 s6, $0x1;
	s3 =	sadd.s32 s4, s19  }
0x9c: {  	s7 =	simm.s32 $0x0;
	s20 =	sshll.u32 s5, $0x1;
	s5 =	sadd.s32 s21, s3  }
0x9d: {  	[timem:s7], [sflag:s22] =	dma.local [hbm:s5], s20  }
0x9e: {  	_ =	swait.ge [sflag:s22], s20  }
0x9f: {  	s4 =	ssub.s32 $0x0, s20;
	[sflag:s22] =	ssyncset.done $0x0  }
0xa0: {  	[sflag:s22] =	ssyncadd.s32 s4;
	_ =	sdelay $0x1  }
0xa1: {  	s23 =	simm.s32 $0x1B8B  }
0xa2: {  	_ =	swait.ge [sflag:s23], $0x1  }
0xa3: {  	[sflag:s23] =	ssyncset.done $0x0  }
0xa4: {  	s25 =	simm.s32 $0x1B8E;
	s24 =	sld [smem:$0x3FFE];
	[sflag:s23] =	ssyncadd.s32 $0xFFFFFFFF  }
0xa5: {  	s26 =	simm.s32 $execute0_lowered;
	[smem:$0x3FD2] =	sst s25  }
0xa6: {  	s5 =	sshll.u32 s26, $0x1;
	_ =	strace $0x80000046;
	[dreg:$0x1] =	wrdreg $0xFFFFFFFF  }
0xa7: {  	s28 =	simm.s32 $_size_execute0_lowered;
	s3 =	sadd.s32 s3, s5;
	[dreg:$0x0] =	wrdreg $0x0  }
0xa8: {  	s5 =	sshll.u32 s28, $0x1;
	[dreg:$0x2] =	wrdreg s3  }
0xa9: {  	[dreg:$0x3] =	wrdreg s5  }
0xaa: {  	[dreg:$0x4] =	wrdreg $0xC0  }
0xab: {  	_ =	task [dreg:s7], $0x5FFFF  }
0xac: {  	[dreg:$0x1] =	wrdreg $0xFFFFFFFF  }
0xad: {  	[dreg:$0x0] =	wrdreg $0x60  }
0xae: {  	[dreg:$0x2] =	wrdreg s2  }
0xaf: {  	[dreg:$0x3] =	wrdreg s24  }
0xb0: {  	[dreg:$0x4] =	wrdreg $0x90000  }
0xb1: {  	[dreg:$0x5] =	wrdreg $0x9  }
0xb2: {  	_ =	task.clear_ibuf [dreg:s7], $0x6FFFF;
	_ =	strace $0x90000046  }
0xb3: {  	s29 =	simm.s32 $0x9;
	_ =	strace $0x80000048  }
0xb4: {  	_ =	swait.ge [sflag:s29], $0x1  }
0xb5: {  	[sflag:s29] =	ssyncadd.s32 $0xFFFFFFFF  }
0xb6: {  	_ =	strace $0x90000048  }
0xb7: {  	_ =	sfence  }
0xb8: {  	s30 =	sld [smem:$0x0];
	_ =	sdelay $0x2  }
0xb9: {  	s31 =	sshll.u32 s1, $0xD;
	s1 =	sshrl.u32 s1, $0x2  }
0xba: {  	s3 =	sand.u32 $0x4000, s31;
	s1 =	sadd.s32 s1, s30  }
0xbb: {  	s0 =	sor.u32 s3, s0;
	s1 =	sshll.u32 s1, $0x11  }
0xbc: {  	s0 =	sor.u32 s1, s0  }
0xbd: {  	s0 =	sadd.s32 $0x8F2B, s0  }
0xbe: {  	[sflag:s0] =	ssyncadd.remote.s32 $0x1  }
0xbf: {  	_ =	sfence.sel $0xFFFF  }
0xc0: {  	[dreg:$0x0] =	wrdreg $0xFFFFFFFF;
	(pc) =	sbr.abs _section_cstart, $3  }
0xc1: {  	[dreg:$0x1] =	wrdreg $0xFFFFFFFF  }
0xc2: {  	_ =	task.clear_ibuf [dreg:s7], $0x2FFFF;
	_ =	strace $0x9FFFFFFF  }
0xc3: {  	(tm) =	ssettm $0x7FFFFFFF  }
tec
execute0_lowered:
.L_overlay_start_1:
0x0: {  	(tag) =	ssettag $0x1  }
0x1: {  	s2 =	rddreg [dreg:$0x0]  }
0x2: {  	s6 =	rddreg [dreg:$0x1]  }
0x3: {  	s3 =	rddreg [dreg:$0x2];
	s0 =	stileid.u32  }
0x4: {  	s5 =	srdreg.scid;
	s1 =	rddreg [dreg:$0x3]  }
0x5: {  	s4 =	simm.s32 $0x0;
	s15 =	simm.s32 $0x80;
	s16 =	simm.s32 $0x2  }
0x6: {  	s17 =	simm.s32 $0x4000;
	s18 =	simm.s32 $0x3;
	s19 =	simm.s32 $0x4  }
0x7: {  	s20 =	simm.s32 $0x5;
	s21 =	simm.s32 $0x1;
	s7 =	smul.u32 $0x14000, s0  }
0x8: {  	s22 =	simm.s32 $0x0;
	s8 =	sand.u32 $0x1, s5;
	s11 =	smul.u32 $0x50000, s0  }
0x9: {  	[smem:$0x7FF] =	sst s4;
	s5 =	sadd.s32 $0x2000, s6;
	s12 =	smul.u32 $0x5000, s0  }
0xa: {  	s31 =	sshll.u32 s0, $0x6;
	s9 =	smul.u32 $0x140000, s8;
	_ =	strace $0x80000047  }
0xb: {  	s26 =	smul.u32 $0x50000, s8;
	s8 =	ssub.s32 $0x2, s8;
	s25 =	sshrl.u32 s7, $0x3  }
0xc: {  	s28 =	sshrl.u32 s8, $0x1;
	s29 =	sshrl.u32 s11, $0x2;
	s10 =	sadd.s32 s25, s6  }
0xd: {  	s7 =	sadd.s32 s7, s9;
	s30 =	ssub.s32 s8, s28;
	s14 =	sadd.s32 s29, s3  }
0xe: {  	s8 =	sor.u32 $0x1C06, s31;
	s7 =	sshrl.u32 s7, $0x3;
	s11 =	smax.u32 s30, $0x1  }
0xf: {  	s13 =	sadd.s32 s7, s6;
	s6 =	sadd.s32 s12, s26;
	s7 =	sadd.s32 $0x16000, s10  }
0x10: {  	s12 =	sshrl.u32 s14, $0x3;
	s14 =	simm.s32 $0x8000;
	s9 =	sshrl.u32 s6, $0x3  }
0x11: {  	s10 =	sadd.s32 $0x3E000, s13;
	s13 =	simm.s32 $0x6;
	s9 =	sadd.s32 s5, s9  }
.LBB2_1:
0x12: {  	[spmem:s12], [sflag:s8] =	dma.local [hbm:s7], $0x2800  }
0x13: {  	_ =	swait.ge [sflag:s13], $0x2800  }
0x14: {  	[sflag:s13] =	ssyncset.done $0x0  }
0x15: {  	[sflag:s13] =	ssyncadd.s32 $0xFFFFD800  }
0x16: {  	[bflag:$0x0] =	sbarrier.arrive $0xFFFF  }
0x17: {  	[tilespmem:s14], [sflag:$0x6] =	stream.linear.gather [hbm4b:s9+s4], $0x800, $0x38;
	[tilespmem:$0x1D000] =	vst v63  }
0x18: {  	_ =	swait.ge [sflag:s13], $0x800  }
0x19: {  	[sflag:s13] =	ssyncset.done $0x0  }
0x1a: {  	s23 =	simm.s32 $0x1;
	s24 =	simm.s32 $0x0;
	[sflag:s13] =	ssyncadd.s32 $0xFFFFF800  }
0x1b: {  	[tilespmem:s4], [sflag:$0x2] =	stream.indirect.gather [hbm4b:s2+s15], $0x80, s14, s15, $0xb8;
	[tilespmem:$0x1D000] =	vst v63  }
.LBB2_2:
0x1c: {  	_ =	swait.ge [sflag:s16], $0x4000  }
0x1d: {  	s25 =	sand.u32 $0x800, s24;
	[sflag:s16] =	ssyncset.done $0x0  }
0x1e: {  	p0 =	seq.s32 s24, $0x0;
	s26 =	sor.u32 $0x8400, s25;
	[sflag:s16] =	ssyncadd.s32 $0xFFFFC000  }
0x1f: {  	[spmem:s3] =	stream.indirect.scatter.add.f32 [tilespmem:s4], [sflag:$0x4], $0x80, s26, s15, $0xb8;
	[tilespmem:$0x1D000] =	vst v63  }
0x20: {  	s26 =	simm.s32 @!p0 $0x5  }
0x21: {  	_ =	swait.ge @!p0 [sflag:s26], $0x4000  }
0x22: {  	[sflag:s26] =	ssyncset.done @!p0 $0x0  }
0x23: {  	s31 =	sadd.s32 $0x8080, s25;
	[sflag:s26] =	ssyncadd.s32 @!p0 $0xFFFFC000  }
0x24: {  	[tilespmem:s17], [sflag:$0x3] =	stream.indirect.gather [hbm4b:s2+s15], $0x80, s31, s15, $0xb8;
	[tilespmem:$0x1D000] =	vst v63  }
0x25: {  	_ =	swait.ge [sflag:s18], $0x4000  }
0x26: {  	[sflag:s18] =	ssyncset.done $0x0  }
0x27: {  	s28 =	sadd.s32 $0x8480, s25;
	[sflag:s18] =	ssyncadd.s32 $0xFFFFC000  }
0x28: {  	[spmem:s3] =	stream.indirect.scatter.add.f32 [tilespmem:s17], [sflag:$0x5], $0x80, s28, s15, $0xb8;
	[tilespmem:$0x1D000] =	vst v63  }
0x29: {  	_ =	swait.ge [sflag:s19], $0x4000  }
0x2a: {  	[sflag:s19] =	ssyncset.done $0x0  }
0x2b: {  	s29 =	sadd.s32 $0x8100, s25;
	[sflag:s19] =	ssyncadd.s32 $0xFFFFC000  }
0x2c: {  	[tilespmem:s4], [sflag:$0x2] =	stream.indirect.gather [hbm4b:s2+s15], $0x80, s29, s15, $0xb8;
	[tilespmem:$0x1D000] =	vst v63  }
0x2d: {  	_ =	swait.ge [sflag:s16], $0x4000  }
0x2e: {  	s30 =	smin.u32 s23, $0x9;
	[sflag:s16] =	ssyncset.done $0x0  }
0x2f: {  	s26 =	sshll.u32 s30, $0xB;
	s28 =	sadd.s32 $0x8500, s25;
	[sflag:s16] =	ssyncadd.s32 $0xFFFFC000  }
0x30: {  	[spmem:s3] =	stream.indirect.scatter.add.f32 [tilespmem:s4], [sflag:$0x4], $0x80, s28, s15, $0xb8;
	[tilespmem:$0x1D000] =	vst v63  }
0x31: {  	s31 =	sxor.u32 $0xFFFFFFFF, s24;
	s26 =	sadd.s32 s6, s26;
	_ =	swait.ge [sflag:s20], $0x4000  }
0x32: {  	s26 =	sshrl.u32 s26, $0x3;
	s28 =	sand.u32 $0x800, s31;
	[sflag:s20] =	ssyncset.done $0x0  }
0x33: {  	s26 =	sadd.s32 s5, s26;
	s28 =	sor.u32 $0x8000, s28;
	[sflag:s20] =	ssyncadd.s32 $0xFFFFC000  }
0x34: {  	[tilespmem:s28], [sflag:$0x1] =	stream.linear.gather [hbm4b:s26+s4], $0x800, $0x38;
	[tilespmem:$0x1D000] =	vst v63  }
0x35: {  	s29 =	sadd.s32 $0x8180, s25  }
0x36: {  	[tilespmem:s17], [sflag:$0x3] =	stream.indirect.gather [hbm4b:s2+s15], $0x80, s29, s15, $0xb8;
	[tilespmem:$0x1D000] =	vst v63  }
0x37: {  	_ =	swait.ge [sflag:s18], $0x4000  }
0x38: {  	[sflag:s18] =	ssyncset.done $0x0  }
0x39: {  	s30 =	sadd.s32 $0x8580, s25;
	[sflag:s18] =	ssyncadd.s32 $0xFFFFC000  }
0x3a: {  	[spmem:s3] =	stream.indirect.scatter.add.f32 [tilespmem:s17], [sflag:$0x5], $0x80, s30, s15, $0xb8;
	[tilespmem:$0x1D000] =	vst v63  }
0x3b: {  	_ =	swait.ge [sflag:s19], $0x4000  }
0x3c: {  	[sflag:s19] =	ssyncset.done $0x0  }
0x3d: {  	s31 =	sadd.s32 $0x8200, s25;
	[sflag:s19] =	ssyncadd.s32 $0xFFFFC000  }
0x3e: {  	[tilespmem:s4], [sflag:$0x2] =	stream.indirect.gather [hbm4b:s2+s15], $0x80, s31, s15, $0xb8;
	[tilespmem:$0x1D000] =	vst v63  }
0x3f: {  	_ =	swait.ge [sflag:s16], $0x4000  }
0x40: {  	[sflag:s16] =	ssyncset.done $0x0  }
0x41: {  	s29 =	sadd.s32 $0x8600, s25;
	[sflag:s16] =	ssyncadd.s32 $0xFFFFC000  }
0x42: {  	[spmem:s3] =	stream.indirect.scatter.add.f32 [tilespmem:s4], [sflag:$0x4], $0x80, s29, s15, $0xb8;
	[tilespmem:$0x1D000] =	vst v63  }
0x43: {  	_ =	swait.ge [sflag:s20], $0x4000  }
0x44: {  	[sflag:s20] =	ssyncset.done $0x0  }
0x45: {  	s30 =	sadd.s32 $0x8280, s25;
	[sflag:s20] =	ssyncadd.s32 $0xFFFFC000  }
0x46: {  	[tilespmem:s17], [sflag:$0x3] =	stream.indirect.gather [hbm4b:s2+s15], $0x80, s30, s15, $0xb8;
	[tilespmem:$0x1D000] =	vst v63  }
0x47: {  	_ =	swait.ge [sflag:s18], $0x4000  }
0x48: {  	[sflag:s18] =	ssyncset.done $0x0  }
0x49: {  	s31 =	sadd.s32 $0x8680, s25;
	[sflag:s18] =	ssyncadd.s32 $0xFFFFC000  }
0x4a: {  	[spmem:s3] =	stream.indirect.scatter.add.f32 [tilespmem:s17], [sflag:$0x5], $0x80, s31, s15, $0xb8;
	[tilespmem:$0x1D000] =	vst v63  }
0x4b: {  	_ =	swait.ge [sflag:s19], $0x4000  }
0x4c: {  	[sflag:s19] =	ssyncset.done $0x0  }
0x4d: {  	[sflag:s19] =	ssyncadd.s32 $0xFFFFC000  }
0x4e: {  	_ =	swait.ge [sflag:s21], $0x800  }
0x4f: {  	[sflag:s21] =	ssyncset.done $0x0  }
0x50: {  	s29 =	sadd.s32 $0x8300, s25;
	[sflag:s21] =	ssyncadd.s32 $0xFFFFF800  }
0x51: {  	[tilespmem:s4], [sflag:$0x2] =	stream.indirect.gather [hbm4b:s2+s15], $0x80, s29, s15, $0xb8;
	[tilespmem:$0x1D000] =	vst v63  }
0x52: {  	_ =	swait.ge [sflag:s16], $0x4000  }
0x53: {  	[sflag:s16] =	ssyncset.done $0x0  }
0x54: {  	s30 =	sadd.s32 $0x8700, s25;
	[sflag:s16] =	ssyncadd.s32 $0xFFFFC000  }
0x55: {  	[spmem:s3] =	stream.indirect.scatter.add.f32 [tilespmem:s4], [sflag:$0x4], $0x80, s30, s15, $0xb8;
	[tilespmem:$0x1D000] =	vst v63  }
0x56: {  	_ =	swait.ge [sflag:s20], $0x4000  }
0x57: {  	[sflag:s20] =	ssyncset.done $0x0  }
0x58: {  	p0 =	seq.s32 s24, $0x4800;
	s31 =	sadd.s32 $0x8380, s25;
	[sflag:s20] =	ssyncadd.s32 $0xFFFFC000  }
0x59: {  	[tilespmem:s17], [sflag:$0x3] =	stream.indirect.gather [hbm4b:s2+s15], $0x80, s31, s15, $0xb8;
	[tilespmem:$0x1D000] =	vst v63  }
0x5a: {  	s24 =	sadd.s32 @!p0 $0x800, s24;
	_ =	swait.ge [sflag:s18], $0x4000  }
0x5b: {  	p1 =	sne.s32 @!p0 s24, $0x5000;
	[sflag:s18] =	ssyncset.done $0x0  }
0x5c: {  	p1 =	por p0, !p1;
	s25 =	sadd.s32 $0x8780, s25;
	[sflag:s18] =	ssyncadd.s32 $0xFFFFC000  }
0x5d: {  	[spmem:s3] =	stream.indirect.scatter.add.f32 [tilespmem:s17], [sflag:$0x5], $0x80, s25, s15, $0xb8;
	[tilespmem:$0x1D000] =	vst v63  }
.Ltmp0:
0x5e: {  	_ = 	snop;
	(pc) =	sbr.rel @!p1 .LBB2_2-.Ltmp0, $4  }
0x5f: {  	_ =	swait.ge [sflag:s19], $0x4000  }
0x60: {  	s23 =	sadd.s32 @!p0 $0x1, s23;
	[sflag:s19] =	ssyncset.done $0x0  }
0x61: {  	s26 =	simm.s32 @!p0 $0x0;
	s25 =	simm.s32 @!p0 $0x80;
	[sflag:s19] =	ssyncadd.s32 $0xFFFFC000  }
0x62: {  	[tilespmem:s26], [sflag:$0x2] =	stream.indirect.gather @!p0 [hbm4b:s2+s25], $0x80, s28, s25, $0xb8;
	[tilespmem:$0x1D000] =	vst v63  }
0x63: {  	_ =	swait.ge [sflag:s20], $0x4000  }
0x64: {  	s22 =	sadd.s32 $0x1, s22;
	[sflag:s20] =	ssyncset.done $0x0  }
0x65: {  	p0 =	sne.s32 s22, s11;
	[sflag:s20] =	ssyncadd.s32 $0xFFFFC000  }
.Ltmp1:
0x66: {  	[bflag:$0x0] =	sbarrier.arrive $0xFFFF;
	(pc) =	sbr.rel @p0 .LBB2_1-.Ltmp1, $4  }
0x67: {  	[hbm:s10], [sflag:s8] =	dma.local [spmem:s12], $0x2800  }
0x68: {  	_ =	swait.ge [sflag:s13], $0x2800  }
0x69: {  	[sflag:s13] =	ssyncset.done $0x0  }
0x6a: {  	[sflag:s13] =	ssyncadd.s32 $0xFFFFD800  }
0x6b: {  	_ =	sfence.sel $0x180000  }
0x6c: {  	[bflag:$0x0] =	sbarrier.arrive $0xFFFF  }
0x6d: {  	p0 =	sne.s32 s0, $0x0;
	_ =	strace $0x90000047  }
0x6e: {  	s0 =	sadd.s32 @!p0 $0x100000, s1;
	[bflag:$0x2] =	sbarrier.arrive $0xFFFF  }
0x6f: {  	[sflag:s0] =	ssyncadd.tile.s32 @!p0 $0x1;
	_ =	shalt  }
.Lfunc_end2:
_tile_overlayer_lowered:
.L_overlay_start_2:
0x70: {  	(tag) =	ssettag $0x2  }
0x71: {  	s0 =	rddreg [dreg:$0x0];
	s2 =	stileid.u32  }
0x72: {  	s1 =	rddreg [dreg:$0x1];
	p0 =	sne.s32 s2, $0x0  }
0x73: {  	s3 =	rddreg [dreg:$0x2];
	[bflag:$0x3] =	sbarrier.arrive $0xFFFF;
	s2 =	simm.s32 @!p0 $0x1C06  }
0x74: {  	[timem:s3], [sflag:s2] =	dma.local @!p0 [hbm:s0], s1  }
0x75: {  	s0 =	simm.s32 @!p0 $0x6  }
0x76: {  	_ =	swait.ge @!p0 [sflag:s0], s1  }
0x77: {  	s1 =	ssub.s32 @!p0 $0x0, s1;
	[sflag:s0] =	ssyncset.done @!p0 $0x0  }
0x78: {  	[sflag:s0] =	ssyncadd.s32 @!p0 s1  }
0x79: {  	[bflag:$0x3] =	sbarrier.arrive $0xFFFF  }
0x7a: {  	_ =	shalt  }

// kernel: kernel.9.cloned.1.call-start
scs
__scs_entry_jumppad:
0x0: {  	(pc) =	sbr.rel $0x88, $3  }
0x1: {  	(tag) =	ssettag $0x0;
	lr =	simm.s32 $0x1  }
0x2: {  	[smem:$0x3F93] =	sst lr;
	_ =	strace $0xD0000000  }
0x3: {  	_ = 	snop  }
0x4: {  	_ = 	snop  }
0x5: {  	_ = 	snop  }
0x6: {  	_ = 	snop  }
0x7: {  	_ = 	snop  }
__scs_overlays_trampoline_lowered:
0x8: {  	[smem:$0x3FA2] =	sst s0  }
0x9: {  	[smem:$0x3FA3] =	sst s1  }
0xa: {  	[smem:$0x3FA4] =	sst s2  }
0xb: {  	[smem:$0x3FA5] =	sst s3  }
0xc: {  	[smem:$0x3FA6] =	sst s4  }
0xd: {  	[smem:$0x3FA7] =	sst s5  }
0xe: {  	[smem:$0x3FA8] =	sst s6  }
0xf: {  	[smem:$0x3FA9] =	sst s7  }
0x10: {  	[smem:$0x3FAA] =	sst s8  }
0x11: {  	[smem:$0x3FAB] =	sst s9;
	s0 =	simm.s32 @!p0 $0x0  }
0x12: {  	s1 =	sld [smem:$0x3F91];
	s0 =	simm.s32 @p0 $0x1  }
0x13: {  	[smem:$0x3FAC] =	sst s0;
	s0 =	simm.s32 @!p1 $0x0  }
0x14: {  	s2 =	sld [smem:$0x3F90];
	s0 =	simm.s32 @p1 $0x1  }
0x15: {  	[smem:$0x3FAD] =	sst s0;
	s0 =	simm.s32 @!p2 $0x0  }
0x16: {  	s3 =	sld [smem:$0x3FDB];
	s0 =	simm.s32 @p2 $0x1  }
0x17: {  	s4 =	simm.s32 $0x1BF5;
	[smem:$0x3FAF] =	sst s0  }
0x18: {  	s0 =	sld [smem:$0x3F92];
	_ =	swait.ge [sflag:s4], $0x0  }
0x19: {  	s7 =	sld [smem:$0x3F93]  }
0x1a: {  	s8 =	sadd.s32 $0xFFFFE003, lr  }
0x1b: {  	s9 =	sadd.s32 $0xFFFFFEF7, lr;
	s5 =	simm.s32 $0xFFFFFFFF;
	p2 =	slt.u32 s8, $0xFFFFF086  }
0x1c: {  	p1 =	slt.u32 s9, $0xF7A;
	s5 =	simm.s32 @!p2 $0x0  }
0x1d: {  	s5 =	simm.s32 @p1 $0x1;
	p0 =	seq.s32 s7, s2  }
0x1e: {  	s7 =	smul.u32 @!p0 $0xF7A, s2;
	p2 =	seq.s32 @!p0 s5, $0x0  }
0x1f: {  	s9 =	smul.u32 $0xF7A, s1;
	s8 =	simm.s32 @!p0 $0x1BF5;
	p2 =	por !p2, p0  }
0x20: {  	[sflag:s8] =	ssyncset.s32 @!p0 $0xFFFFF086;
	s6 =	sadd.s32 @!p0 s3, s7;
	s7 =	simm.s32 @!p0 $0x108  }
0x21: {  	s3 =	sadd.s32 s3, s9;
	s6 =	sadd.s32 @!p0 $0x88, s6;
	s7 =	simm.s32 @p2 $0x1082  }
0x22: {  	[simem:s7], [sflag:s8] =	dma.local @!p0 [hbm:s6], $0xF7A  }
0x23: {  	s9 =	sor.u32 $0xD0000000, s2;
	s6 =	simm.s32 $0x108;
	_ =	swait.ge @!p0 [sflag:s8], $0x0  }
0x24: {  	s3 =	sadd.s32 $0x88, s3;
	s6 =	simm.s32 @!p1 $0x1082;
	[sflag:s4] =	ssyncset.s32 $0xFFFFF086  }
0x25: {  	[simem:s6], [sflag:s4] =	dma.local [hbm:s3], $0xF7A  }
0x26: {  	[smem:$0x3F93] =	sst s1;
	(tag) =	ssettag s2;
	_ =	strace s9  }
0x27: {  	s1 =	sld [smem:$0x3FA3]  }
0x28: {  	s2 =	sld [smem:$0x3FA4]  }
0x29: {  	s4 =	sld [smem:$0x3FA6]  }
0x2a: {  	p0 =	seq.s32 s5, $0x0;
	s5 =	sld [smem:$0x3FA7]  }
0x2b: {  	s6 =	sld [smem:$0x3FA8]  }
0x2c: {  	s7 =	sld [smem:$0x3FA9]  }
0x2d: {  	s3 =	simm.s32 $0x108;
	s8 =	sld [smem:$0x3FAA]  }
0x2e: {  	s3 =	simm.s32 @!p0 $0x1082;
	s9 =	sld [smem:$0x3FAB]  }
0x2f: {  	lr =	sadd.s32 s0, s3;
	s0 =	sld [smem:$0x3FA2]  }
0x30: {  	s3 =	sld [smem:$0x3FA5]  }
0x31: {  	[smem:$0x3FAE] =	sst s10  }
0x32: {  	s10 =	sld [smem:$0x3FAC];
	_ =	sdelay $0x3  }
0x33: {  	p0 =	seq.s32 s10, $0x1;
	s10 =	sld [smem:$0x3FAE];
	_ =	sdelay $0x3  }
0x34: {  	[smem:$0x3FAE] =	sst s10  }
0x35: {  	s10 =	sld [smem:$0x3FAD];
	_ =	sdelay $0x3  }
0x36: {  	p1 =	seq.s32 s10, $0x1;
	s10 =	sld [smem:$0x3FAE];
	_ =	sdelay $0x3  }
0x37: {  	[smem:$0x3FAE] =	sst s10  }
0x38: {  	s10 =	sld [smem:$0x3FAF]  }
0x39: {  	_ = 	snop;
	(pc) =	sbr.ind lr, $3  }
0x3a: {  	_ = 	snop  }
0x3b: {  	_ = 	snop  }
0x3c: {  	p2 =	seq.s32 s10, $0x1;
	s10 =	sld [smem:$0x3FAE]  }
0x3d: {  	_ =	shalt  }
0x3e: {  	_ =	shalt  }
0x3f: {  	_ =	shalt  }
0x40: {  	_ =	shalt  }
0x41: {  	_ =	shalt  }
0x42: {  	_ =	shalt  }
0x43: {  	_ =	shalt  }
0x44: {  	_ =	shalt  }
0x45: {  	_ =	shalt  }
0x46: {  	_ =	shalt  }
0x47: {  	_ =	shalt  }
0x48: {  	_ =	shalt  }
0x49: {  	_ =	shalt  }
0x4a: {  	_ =	shalt  }
0x4b: {  	_ =	shalt  }
0x4c: {  	_ =	shalt  }
0x4d: {  	_ =	shalt  }
0x4e: {  	_ =	shalt  }
0x4f: {  	_ =	shalt  }
0x50: {  	_ =	shalt  }
0x51: {  	_ =	shalt  }
0x52: {  	_ =	shalt  }
0x53: {  	_ =	shalt  }
0x54: {  	_ =	shalt  }
0x55: {  	_ =	shalt  }
0x56: {  	_ =	shalt  }
0x57: {  	_ =	shalt  }
0x58: {  	_ =	shalt  }
0x59: {  	_ =	shalt  }
0x5a: {  	_ =	shalt  }
0x5b: {  	_ =	shalt  }
0x5c: {  	_ =	shalt  }
0x5d: {  	_ =	shalt  }
0x5e: {  	_ =	shalt  }
0x5f: {  	_ =	shalt  }
0x60: {  	_ =	shalt  }
0x61: {  	_ =	shalt  }
0x62: {  	_ =	shalt  }
0x63: {  	_ =	shalt  }
0x64: {  	_ =	shalt  }
0x65: {  	_ =	shalt  }
0x66: {  	_ =	shalt  }
0x67: {  	_ =	shalt  }
0x68: {  	_ =	shalt  }
0x69: {  	_ =	shalt  }
0x6a: {  	_ =	shalt  }
0x6b: {  	_ =	shalt  }
0x6c: {  	_ =	shalt  }
0x6d: {  	_ =	shalt  }
0x6e: {  	_ =	shalt  }
0x6f: {  	_ =	shalt  }
0x70: {  	_ =	shalt  }
0x71: {  	_ =	shalt  }
0x72: {  	_ =	shalt  }
0x73: {  	_ =	shalt  }
0x74: {  	_ =	shalt  }
0x75: {  	_ =	shalt  }
0x76: {  	_ =	shalt  }
0x77: {  	_ =	shalt  }
0x78: {  	_ =	shalt  }
0x79: {  	_ =	shalt  }
0x7a: {  	_ =	shalt  }
0x7b: {  	_ =	shalt  }
0x7c: {  	_ =	shalt  }
0x7d: {  	_ =	shalt  }
0x7e: {  	_ =	shalt  }
0x7f: {  	_ =	shalt  }
0x80: {  	_ =	shalt  }
0x81: {  	_ =	shalt  }
0x82: {  	_ =	shalt  }
0x83: {  	_ =	shalt  }
0x84: {  	_ =	shalt  }
0x85: {  	_ =	shalt  }
0x86: {  	_ =	shalt  }
0x87: {  	_ =	shalt  }
.Lfunc_end0:
.L_simem_size_0:
called_computation.1_lowered:
.L_overlay_start_0:
0x88: {  	s2 =	sld [smem:$0x3FD9]  }
0x89: {  	s3 =	sld [smem:$0x3FFE];
	_ =	sdelay $0x1  }
0x8a: {  	s1 =	srdreg.scid  }
0x8b: {  	s0 =	sand.u32 $0x1, s1  }
0x8c: {  	s16 =	sshll.u32 s0, $0xA;
	s2 =	sadd.s32 s3, s2  }
0x8d: {  	s2 =	sadd.s32 s2, s16  }
0x8e: {  	[smem:$0x3FBA] =	sst s2  }
0x8f: {  	_ = 	snop  }
0x90: {  	(tm) =	ssettm $0x1  }
0x91: {  	s17 =	sld [smem:$0x3FFB];
	_ =	sdelay $0x3  }
0x92: {  	_ =	strace s17  }
0x93: {  	s2 =	sld [smem:$0x3FFC];
	_ =	sdelay $0x3  }
0x94: {  	_ =	strace s2  }
0x95: {  	s2 =	sld [smem:$0x3FFD];
	_ =	sdelay $0x3  }
0x96: {  	_ =	strace s2  }
0x97: {  	_ =	strace $0x8FFFFFFF  }
0x98: {  	s18 =	sld [smem:$0x3FDB];
	_ =	sdelay $0x1  }
0x99: {  	s19 =	simm.s32 $_scs_section_size  }
0x9a: {  	s4 =	simm.s32 $_size__tile_overlayer_lowered;
	s5 =	simm.s32 $_tile_overlayer_lowered  }
0x9b: {  	s22 =	simm.s32 $0x1BFF;
	s21 =	sshll.u32 s5, $0x1;
	s2 =	sadd.s32 s19, s18  }
0x9c: {  	s6 =	simm.s32 $0x0;
	s20 =	sshll.u32 s4, $0x1;
	s4 =	sadd.s32 s21, s2  }
0x9d: {  	[timem:s6], [sflag:s22] =	dma.local [hbm:s4], s20  }
0x9e: {  	_ =	swait.ge [sflag:s22], s20  }
0x9f: {  	s3 =	ssub.s32 $0x0, s20;
	[sflag:s22] =	ssyncset.done $0x0  }
0xa0: {  	[sflag:s22] =	ssyncadd.s32 s3;
	_ =	sdelay $0x1  }
0xa1: {  	s23 =	simm.s32 $0x1B8B  }
0xa2: {  	_ =	swait.ge [sflag:s23], $0x1  }
0xa3: {  	[sflag:s23] =	ssyncset.done $0x0  }
0xa4: {  	s25 =	simm.s32 $0x1B8E;
	s24 =	sld [smem:$0x3FFE];
	[sflag:s23] =	ssyncadd.s32 $0xFFFFFFFF  }
0xa5: {  	s26 =	simm.s32 $execute0_lowered;
	[smem:$0x3FD2] =	sst s25  }
0xa6: {  	s4 =	sshll.u32 s26, $0x1;
	_ =	strace $0x80000049;
	[dreg:$0x1] =	wrdreg $0xFFFFFFFF  }
0xa7: {  	s28 =	simm.s32 $_size_execute0_lowered;
	s2 =	sadd.s32 s2, s4;
	[dreg:$0x0] =	wrdreg $0x0  }
0xa8: {  	s4 =	sshll.u32 s28, $0x1;
	[dreg:$0x2] =	wrdreg s2  }
0xa9: {  	[dreg:$0x3] =	wrdreg s4  }
0xaa: {  	[dreg:$0x4] =	wrdreg $0xC0  }
0xab: {  	_ =	task [dreg:s6], $0x5FFFF  }
0xac: {  	[dreg:$0x1] =	wrdreg $0xFFFFFFFF  }
0xad: {  	[dreg:$0x0] =	wrdreg $0x60  }
0xae: {  	[dreg:$0x2] =	wrdreg s24  }
0xaf: {  	[dreg:$0x3] =	wrdreg $0x90000  }
0xb0: {  	[dreg:$0x4] =	wrdreg $0x9  }
0xb1: {  	_ =	task.clear_ibuf [dreg:s6], $0x5FFFF;
	_ =	strace $0x90000049  }
0xb2: {  	s29 =	simm.s32 $0x9;
	_ =	strace $0x8000004B  }
0xb3: {  	_ =	swait.ge [sflag:s29], $0x1  }
0xb4: {  	[sflag:s29] =	ssyncadd.s32 $0xFFFFFFFF  }
0xb5: {  	_ =	strace $0x9000004B  }
0xb6: {  	_ =	sfence  }
0xb7: {  	s30 =	sld [smem:$0x0];
	_ =	sdelay $0x2  }
0xb8: {  	s31 =	sshll.u32 s1, $0xD;
	s1 =	sshrl.u32 s1, $0x2  }
0xb9: {  	s3 =	sand.u32 $0x4000, s31;
	s1 =	sadd.s32 s1, s30  }
0xba: {  	s0 =	sor.u32 s3, s0;
	s1 =	sshll.u32 s1, $0x11  }
0xbb: {  	s0 =	sor.u32 s1, s0  }
0xbc: {  	s0 =	sadd.s32 $0x8F2B, s0  }
0xbd: {  	[sflag:s0] =	ssyncadd.remote.s32 $0x1  }
0xbe: {  	_ =	sfence.sel $0xFFFF  }
0xbf: {  	[dreg:$0x0] =	wrdreg $0xFFFFFFFF;
	(pc) =	sbr.abs _section_cstart, $3  }
0xc0: {  	[dreg:$0x1] =	wrdreg $0xFFFFFFFF  }
0xc1: {  	_ =	task.clear_ibuf [dreg:s6], $0x2FFFF;
	_ =	strace $0x9FFFFFFF  }
0xc2: {  	(tm) =	ssettm $0x7FFFFFFF  }
0xc3: {  	_ =	shalt  }
tec
execute0_lowered:
.L_overlay_start_1:
0x0: {  	(tag) =	ssettag $0x1  }
0x1: {  	s6 =	rddreg [dreg:$0x0];
	s0 =	srdreg.scid  }
0x2: {  	s2 =	rddreg [dreg:$0x1];
	s1 =	stileid.u32  }
0x3: {  	s3 =	simm.s32 $0x0;
	s17 =	simm.s32 $0x4000;
	s18 =	simm.s32 $0x3  }
0x4: {  	s19 =	simm.s32 $0x4;
	s20 =	simm.s32 $0x5;
	s9 =	smul.u32 $0x14000, s1  }
0x5: {  	s21 =	simm.s32 $0x1;
	s22 =	simm.s32 $0x0;
	s10 =	smul.u32 $0x50000, s1  }
0x6: {  	s7 =	sand.u32 $0x1, s0;
	s0 =	rddreg [dreg:$0x2];
	s12 =	smul.u32 $0x2800, s1  }
0x7: {  	[smem:$0x7FF] =	sst s3;
	s4 =	sadd.s32 $0x2000, s6;
	s14 =	smul.u32 $0xA000, s1  }
0x8: {  	s5 =	sadd.s32 $0x8E000, s6;
	s30 =	sshll.u32 s1, $0x6;
	s8 =	smul.u32 $0x140000, s7  }
0x9: {  	_ =	strace $0x8000004A;
	s11 =	smul.u32 $0x28000, s7;
	s26 =	ssub.s32 $0x2, s7  }
0xa: {  	s7 =	smul.u32 $0xA0000, s7;
	s13 =	sshrl.u32 s26, $0x1;
	s28 =	sshrl.u32 s10, $0x2  }
0xb: {  	s8 =	sadd.s32 s9, s8;
	s13 =	ssub.s32 s26, s13;
	s16 =	sadd.s32 s28, s2  }
0xc: {  	s29 =	sadd.s32 s12, s11;
	s8 =	sshrl.u32 s8, $0x3;
	s11 =	smax.u32 s13, $0x1  }
0xd: {  	s12 =	sshrl.u32 s16, $0x3;
	s13 =	simm.s32 $0x6;
	s16 =	simm.s32 $0x2  }
0xe: {  	s15 =	sadd.s32 s8, s6;
	s6 =	sadd.s32 s14, s7;
	s7 =	sadd.s32 s4, s29  }
0xf: {  	s8 =	sor.u32 $0x1C06, s30;
	s14 =	simm.s32 $0x8000;
	s31 =	sshrl.u32 s6, $0x3  }
0x10: {  	s10 =	sadd.s32 $0xB6000, s15;
	s15 =	simm.s32 $0x80;
	s9 =	sadd.s32 s5, s31  }
.LBB2_1:
0x11: {  	[spmem:s12], [sflag:s8] =	dma.local [hbm:s7], $0x2800  }
0x12: {  	_ =	swait.ge [sflag:s13], $0x2800  }
0x13: {  	[sflag:s13] =	ssyncset.done $0x0  }
0x14: {  	[sflag:s13] =	ssyncadd.s32 $0xFFFFD800  }
0x15: {  	[bflag:$0x0] =	sbarrier.arrive $0xFFFF  }
0x16: {  	[tilespmem:s14], [sflag:$0x6] =	stream.linear.gather [hbm4b:s9+s3], $0x800, $0x38;
	[tilespmem:$0x1D000] =	vst v63  }
0x17: {  	_ =	swait.ge [sflag:s13], $0x800  }
0x18: {  	[sflag:s13] =	ssyncset.done $0x0  }
0x19: {  	s23 =	simm.s32 $0x1;
	s24 =	simm.s32 $0x0;
	[sflag:s13] =	ssyncadd.s32 $0xFFFFF800  }
0x1a: {  	[tilespmem:s3], [sflag:$0x2] =	stream.indirect.gather [hbm4b:s4+s15], $0x80, s14, s15, $0xb8;
	[tilespmem:$0x1D000] =	vst v63  }
.LBB2_2:
0x1b: {  	_ =	swait.ge [sflag:s16], $0x4000  }
0x1c: {  	s25 =	sand.u32 $0x800, s24;
	[sflag:s16] =	ssyncset.done $0x0  }
0x1d: {  	p0 =	seq.s32 s24, $0x0;
	s26 =	sor.u32 $0x8400, s25;
	[sflag:s16] =	ssyncadd.s32 $0xFFFFC000  }
0x1e: {  	[spmem:s2] =	stream.indirect.scatter.add.f32 [tilespmem:s3], [sflag:$0x4], $0x80, s26, s15, $0xb8;
	[tilespmem:$0x1D000] =	vst v63  }
0x1f: {  	s26 =	simm.s32 @!p0 $0x5  }
0x20: {  	_ =	swait.ge @!p0 [sflag:s26], $0x4000  }
0x21: {  	[sflag:s26] =	ssyncset.done @!p0 $0x0  }
0x22: {  	s31 =	sadd.s32 $0x8080, s25;
	[sflag:s26] =	ssyncadd.s32 @!p0 $0xFFFFC000  }
0x23: {  	[tilespmem:s17], [sflag:$0x3] =	stream.indirect.gather [hbm4b:s4+s15], $0x80, s31, s15, $0xb8;
	[tilespmem:$0x1D000] =	vst v63  }
0x24: {  	_ =	swait.ge [sflag:s18], $0x4000  }
0x25: {  	[sflag:s18] =	ssyncset.done $0x0  }
0x26: {  	s28 =	sadd.s32 $0x8480, s25;
	[sflag:s18] =	ssyncadd.s32 $0xFFFFC000  }
0x27: {  	[spmem:s2] =	stream.indirect.scatter.add.f32 [tilespmem:s17], [sflag:$0x5], $0x80, s28, s15, $0xb8;
	[tilespmem:$0x1D000] =	vst v63  }
0x28: {  	_ =	swait.ge [sflag:s19], $0x4000  }
0x29: {  	[sflag:s19] =	ssyncset.done $0x0  }
0x2a: {  	s29 =	sadd.s32 $0x8100, s25;
	[sflag:s19] =	ssyncadd.s32 $0xFFFFC000  }
0x2b: {  	[tilespmem:s3], [sflag:$0x2] =	stream.indirect.gather [hbm4b:s4+s15], $0x80, s29, s15, $0xb8;
	[tilespmem:$0x1D000] =	vst v63  }
0x2c: {  	_ =	swait.ge [sflag:s16], $0x4000  }
0x2d: {  	s30 =	smin.u32 s23, $0x13;
	[sflag:s16] =	ssyncset.done $0x0  }
0x2e: {  	s26 =	sshll.u32 s30, $0xB;
	s28 =	sadd.s32 $0x8500, s25;
	[sflag:s16] =	ssyncadd.s32 $0xFFFFC000  }
0x2f: {  	[spmem:s2] =	stream.indirect.scatter.add.f32 [tilespmem:s3], [sflag:$0x4], $0x80, s28, s15, $0xb8;
	[tilespmem:$0x1D000] =	vst v63  }
0x30: {  	s31 =	sxor.u32 $0xFFFFFFFF, s24;
	s26 =	sadd.s32 s6, s26;
	_ =	swait.ge [sflag:s20], $0x4000  }
0x31: {  	s26 =	sshrl.u32 s26, $0x3;
	s28 =	sand.u32 $0x800, s31;
	[sflag:s20] =	ssyncset.done $0x0  }
0x32: {  	s26 =	sadd.s32 s5, s26;
	s28 =	sor.u32 $0x8000, s28;
	[sflag:s20] =	ssyncadd.s32 $0xFFFFC000  }
0x33: {  	[tilespmem:s28], [sflag:$0x1] =	stream.linear.gather [hbm4b:s26+s3], $0x800, $0x38;
	[tilespmem:$0x1D000] =	vst v63  }
0x34: {  	s29 =	sadd.s32 $0x8180, s25  }
0x35: {  	[tilespmem:s17], [sflag:$0x3] =	stream.indirect.gather [hbm4b:s4+s15], $0x80, s29, s15, $0xb8;
	[tilespmem:$0x1D000] =	vst v63  }
0x36: {  	_ =	swait.ge [sflag:s18], $0x4000  }
0x37: {  	[sflag:s18] =	ssyncset.done $0x0  }
0x38: {  	s30 =	sadd.s32 $0x8580, s25;
	[sflag:s18] =	ssyncadd.s32 $0xFFFFC000  }
0x39: {  	[spmem:s2] =	stream.indirect.scatter.add.f32 [tilespmem:s17], [sflag:$0x5], $0x80, s30, s15, $0xb8;
	[tilespmem:$0x1D000] =	vst v63  }
0x3a: {  	_ =	swait.ge [sflag:s19], $0x4000  }
0x3b: {  	[sflag:s19] =	ssyncset.done $0x0  }
0x3c: {  	s31 =	sadd.s32 $0x8200, s25;
	[sflag:s19] =	ssyncadd.s32 $0xFFFFC000  }
0x3d: {  	[tilespmem:s3], [sflag:$0x2] =	stream.indirect.gather [hbm4b:s4+s15], $0x80, s31, s15, $0xb8;
	[tilespmem:$0x1D000] =	vst v63  }
0x3e: {  	_ =	swait.ge [sflag:s16], $0x4000  }
0x3f: {  	[sflag:s16] =	ssyncset.done $0x0  }
0x40: {  	s29 =	sadd.s32 $0x8600, s25;
	[sflag:s16] =	ssyncadd.s32 $0xFFFFC000  }
0x41: {  	[spmem:s2] =	stream.indirect.scatter.add.f32 [tilespmem:s3], [sflag:$0x4], $0x80, s29, s15, $0xb8;
	[tilespmem:$0x1D000] =	vst v63  }
0x42: {  	_ =	swait.ge [sflag:s20], $0x4000  }
0x43: {  	[sflag:s20] =	ssyncset.done $0x0  }
0x44: {  	s30 =	sadd.s32 $0x8280, s25;
	[sflag:s20] =	ssyncadd.s32 $0xFFFFC000  }
0x45: {  	[tilespmem:s17], [sflag:$0x3] =	stream.indirect.gather [hbm4b:s4+s15], $0x80, s30, s15, $0xb8;
	[tilespmem:$0x1D000] =	vst v63  }
0x46: {  	_ =	swait.ge [sflag:s18], $0x4000  }
0x47: {  	[sflag:s18] =	ssyncset.done $0x0  }
0x48: {  	s31 =	sadd.s32 $0x8680, s25;
	[sflag:s18] =	ssyncadd.s32 $0xFFFFC000  }
0x49: {  	[spmem:s2] =	stream.indirect.scatter.add.f32 [tilespmem:s17], [sflag:$0x5], $0x80, s31, s15, $0xb8;
	[tilespmem:$0x1D000] =	vst v63  }
0x4a: {  	_ =	swait.ge [sflag:s19], $0x4000  }
0x4b: {  	[sflag:s19] =	ssyncset.done $0x0  }
0x4c: {  	[sflag:s19] =	ssyncadd.s32 $0xFFFFC000  }
0x4d: {  	_ =	swait.ge [sflag:s21], $0x800  }
0x4e: {  	[sflag:s21] =	ssyncset.done $0x0  }
0x4f: {  	s29 =	sadd.s32 $0x8300, s25;
	[sflag:s21] =	ssyncadd.s32 $0xFFFFF800  }
0x50: {  	[tilespmem:s3], [sflag:$0x2] =	stream.indirect.gather [hbm4b:s4+s15], $0x80, s29, s15, $0xb8;
	[tilespmem:$0x1D000] =	vst v63  }
0x51: {  	_ =	swait.ge [sflag:s16], $0x4000  }
0x52: {  	[sflag:s16] =	ssyncset.done $0x0  }
0x53: {  	s30 =	sadd.s32 $0x8700, s25;
	[sflag:s16] =	ssyncadd.s32 $0xFFFFC000  }
0x54: {  	[spmem:s2] =	stream.indirect.scatter.add.f32 [tilespmem:s3], [sflag:$0x4], $0x80, s30, s15, $0xb8;
	[tilespmem:$0x1D000] =	vst v63  }
0x55: {  	_ =	swait.ge [sflag:s20], $0x4000  }
0x56: {  	[sflag:s20] =	ssyncset.done $0x0  }
0x57: {  	p0 =	seq.s32 s24, $0x9800;
	s31 =	sadd.s32 $0x8380, s25;
	[sflag:s20] =	ssyncadd.s32 $0xFFFFC000  }
0x58: {  	[tilespmem:s17], [sflag:$0x3] =	stream.indirect.gather [hbm4b:s4+s15], $0x80, s31, s15, $0xb8;
	[tilespmem:$0x1D000] =	vst v63  }
0x59: {  	s24 =	sadd.s32 @!p0 $0x800, s24;
	_ =	swait.ge [sflag:s18], $0x4000  }
0x5a: {  	p1 =	sne.s32 @!p0 s24, $0xA000;
	[sflag:s18] =	ssyncset.done $0x0  }
0x5b: {  	p1 =	por p0, !p1;
	s25 =	sadd.s32 $0x8780, s25;
	[sflag:s18] =	ssyncadd.s32 $0xFFFFC000  }
0x5c: {  	[spmem:s2] =	stream.indirect.scatter.add.f32 [tilespmem:s17], [sflag:$0x5], $0x80, s25, s15, $0xb8;
	[tilespmem:$0x1D000] =	vst v63  }
.Ltmp0:
0x5d: {  	_ = 	snop;
	(pc) =	sbr.rel @!p1 .LBB2_2-.Ltmp0, $4  }
0x5e: {  	_ =	swait.ge [sflag:s19], $0x4000  }
0x5f: {  	s23 =	sadd.s32 @!p0 $0x1, s23;
	[sflag:s19] =	ssyncset.done $0x0  }
0x60: {  	s26 =	simm.s32 @!p0 $0x0;
	s25 =	simm.s32 @!p0 $0x80;
	[sflag:s19] =	ssyncadd.s32 $0xFFFFC000  }
0x61: {  	[tilespmem:s26], [sflag:$0x2] =	stream.indirect.gather @!p0 [hbm4b:s4+s25], $0x80, s28, s25, $0xb8;
	[tilespmem:$0x1D000] =	vst v63  }
0x62: {  	_ =	swait.ge [sflag:s20], $0x4000  }
0x63: {  	s22 =	sadd.s32 $0x1, s22;
	[sflag:s20] =	ssyncset.done $0x0  }
0x64: {  	p0 =	sne.s32 s22, s11;
	[sflag:s20] =	ssyncadd.s32 $0xFFFFC000  }
.Ltmp1:
0x65: {  	[bflag:$0x0] =	sbarrier.arrive $0xFFFF;
	(pc) =	sbr.rel @p0 .LBB2_1-.Ltmp1, $4  }
0x66: {  	[hbm:s10], [sflag:s8] =	dma.local [spmem:s12], $0x2800  }
0x67: {  	_ =	swait.ge [sflag:s13], $0x2800  }
0x68: {  	[sflag:s13] =	ssyncset.done $0x0  }
0x69: {  	[sflag:s13] =	ssyncadd.s32 $0xFFFFD800  }
0x6a: {  	_ =	sfence.sel $0x180000  }
0x6b: {  	[bflag:$0x0] =	sbarrier.arrive $0xFFFF  }
0x6c: {  	p0 =	sne.s32 s1, $0x0;
	_ =	strace $0x9000004A  }
0x6d: {  	s0 =	sadd.s32 @!p0 $0x100000, s0;
	[bflag:$0x2] =	sbarrier.arrive $0xFFFF  }
0x6e: {  	[sflag:s0] =	ssyncadd.tile.s32 @!p0 $0x1;
	_ =	shalt  }
.Lfunc_end2:
_tile_overlayer_lowered:
.L_overlay_start_2:
0x6f: {  	(tag) =	ssettag $0x2  }
0x70: {  	s0 =	rddreg [dreg:$0x0];
	s2 =	stileid.u32  }
0x71: {  	s1 =	rddreg [dreg:$0x1];
	p0 =	sne.s32 s2, $0x0  }
0x72: {  	s3 =	rddreg [dreg:$0x2];
	[bflag:$0x3] =	sbarrier.arrive $0xFFFF;
	s2 =	simm.s32 @!p0 $0x1C06  }
0x73: {  	[timem:s3], [sflag:s2] =	dma.local @!p0 [hbm:s0], s1  }
0x74: {  	s0 =	simm.s32 @!p0 $0x6  }
0x75: {  	_ =	swait.ge @!p0 [sflag:s0], s1  }
0x76: {  	s1 =	ssub.s32 @!p0 $0x0, s1;
	[sflag:s0] =	ssyncset.done @!p0 $0x0  }
0x77: {  	[sflag:s0] =	ssyncadd.s32 @!p0 s1  }
0x78: {  	[bflag:$0x3] =	sbarrier.arrive $0xFFFF  }
0x79: {  	_ =	shalt  }

</sc_bundles>
